<compile_context>
chip_gen: v7x
topology: tpu7x:2x2x1
jax: 0.10.2.dev20260603
libtpu: 0.0.44.dev20260713+nightly
codegen_flags: <defaults>
</compile_context>

<pallas_src>
import functools

import jax
import jax.numpy as jnp
from jax import lax
from jax.experimental import pallas as pl
from jax.experimental.pallas import tpu as pltpu
from jax.experimental.pallas import tpu_sc as plsc

N = 10000
EG = 320000
HD = 128
H = 8
D = 16
CLAMP = 5.0

NC = 2
NS = 16
NW = NC * NS
EPW = EG // NW
C = 40
NCHUNK = EPW // C
NACC = 10240
RPT = NACC // NS
NP = NACC * H
NPR = NP // HD


def _qkv_body(x_ref, w_ref, b_ref, q_ref, k_ref, v_ref):
    y = jnp.dot(x_ref[...], w_ref[...], preferred_element_type=jnp.float32)
    y = y + b_ref[0:1, :]
    q_ref[...] = y[:, 0:HD]
    k_ref[...] = y[:, HD:2 * HD]
    v_ref[...] = y[:, 2 * HD:3 * HD]


def _qkv(x, w_all, b_all):
    blk = 1000
    return pl.pallas_call(
        _qkv_body,
        grid=(N // blk,),
        in_specs=[
            pl.BlockSpec((blk, HD), lambda i: (i, 0)),
            pl.BlockSpec((HD, 3 * HD), lambda i: (0, 0)),
            pl.BlockSpec((8, 3 * HD), lambda i: (0, 0)),
        ],
        out_specs=[pl.BlockSpec((blk, HD), lambda i: (i, 0))] * 3,
        out_shape=[jax.ShapeDtypeStruct((N, HD), jnp.float32)] * 3,
    )(x, w_all, b_all)


def _e_body(a_ref, w_ref, b_ref, e_ref):
    y = jnp.dot(a_ref[...], w_ref[...], preferred_element_type=jnp.float32)
    e_ref[...] = y + b_ref[0:1, :]


def _eproj(edge_attr, we1, b):
    blk = 2000
    return pl.pallas_call(
        _e_body,
        grid=(EG // blk,),
        in_specs=[
            pl.BlockSpec((blk, HD), lambda i: (i, 0)),
            pl.BlockSpec((HD, HD), lambda i: (0, 0)),
            pl.BlockSpec((8, HD), lambda i: (0, 0)),
        ],
        out_specs=pl.BlockSpec((blk, HD), lambda i: (i, 0)),
        out_shape=jax.ShapeDtypeStruct((EG, HD), jnp.float32),
    )(edge_attr, we1, b)


def _edge_body(src_hbm, dst_hbm, k_hbm, q_hbm, v_hbm, e_hbm,
               we_hbm, acc_hbm, pacc_hbm,
               acc_sh, acc_p, sem0, sem1, sem2, sem3):
    def scoped(src_c, dst_c, dst_cp, d16, kb, qb, vb, eb, web, mb, pb):
        _edge_inner(src_hbm, dst_hbm, k_hbm, q_hbm, v_hbm, e_hbm,
                    we_hbm, acc_hbm, pacc_hbm,
                    src_c, dst_c, dst_cp, d16, kb, qb, vb, eb, web, mb, pb,
                    acc_sh, acc_p, sem0, sem1, sem2, sem3)
    pl.run_scoped(
        scoped,
        pltpu.VMEM((C,), jnp.int32),
        pltpu.VMEM((C,), jnp.int32),
        pltpu.VMEM((C + 16,), jnp.int32),
        pltpu.VMEM((C,), jnp.int32),
        pltpu.VMEM((C, HD), jnp.float32),
        pltpu.VMEM((C, HD), jnp.float32),
        pltpu.VMEM((C, HD), jnp.float32),
        pltpu.VMEM((C, HD), jnp.float32),
        pltpu.VMEM((C, HD), jnp.float32),
        pltpu.VMEM((C, HD), jnp.float32),
        pltpu.VMEM((C, HD), jnp.float32),
    )


def _edge_inner(src_hbm, dst_hbm, k_hbm, q_hbm, v_hbm, e_hbm,
                we_hbm, acc_hbm, pacc_hbm,
                src_c, dst_c, dst_cp, d16, kb, qb, vb, eb, web, mb, pb,
                acc_sh, acc_p, sem0, sem1, sem2, sem3):
    cid = lax.axis_index("c")
    sid = lax.axis_index("s")
    wid = sid * NC + cid

    lanes = lax.iota(jnp.int32, 16)
    z16 = jnp.zeros((16,), jnp.float32)

    def zrow(r, _):
        for cc in range(HD // 16):
            mb[r, pl.ds(cc * 16, 16)] = z16
        return 0
    lax.fori_loop(0, C, zrow, 0)
    for m in range(RPT // C):
        pltpu.sync_copy(mb, acc_sh.at[pl.ds(sid * RPT + m * C, C)])
    pltpu.sync_copy(mb, acc_p.at[pl.ds(sid * (NPR // NS), NPR // NS)])
    plsc.subcore_barrier()

    def chunk(j, _):
        base = wid * EPW + j * C
        ci = pltpu.async_copy(src_hbm.at[pl.ds(base, C)], src_c, sem3)
        cj = pltpu.async_copy(dst_hbm.at[pl.ds(base, C)], dst_c, sem3)
        ck = pltpu.async_copy(dst_hbm.at[pl.ds(base, C)],
                              dst_cp.at[pl.ds(0, C)], sem3)
        ci.wait()
        cj.wait()
        ck.wait()
        c1 = pltpu.async_copy(k_hbm.at[src_c], kb, sem0)
        c2 = pltpu.async_copy(q_hbm.at[dst_c], qb, sem1)
        c3 = pltpu.async_copy(v_hbm.at[src_c], vb, sem2)
        c4 = pltpu.async_copy(e_hbm.at[pl.ds(base, C)], eb, sem3)
        c1.wait()
        c2.wait()
        c3.wait()
        c4.wait()

        for g in range((C + 15) // 16):
            idxs = lanes + g * 16
            dvec = dst_cp[pl.ds(g * 16, 16)]
            plsc.store_scatter(d16, [idxs], dvec >> 4, mask=idxs < C)

        def edge(i, _):
            dstn = dst_cp[pl.ds(i, 16)][0]
            slot = (dstn & 15) >> 1
            odd = dstn & 1
            pv_lo = z16
            pv_hi = z16
            for h in range(H):
                sl = pl.ds(h * D, D)
                s = kb[i, sl] * qb[i, sl] * eb[i, sl]
                web[i, sl] = s
                t = jnp.clip(plsc.cumsum(s)[15] * 0.25, -CLAMP, CLAMP)
                pv = jnp.exp(jnp.broadcast_to(t, (16,)))
                mb[i, sl] = (vb[i, sl] + s) * pv
                pv_lo = jnp.where(lanes == h, pv, pv_lo)
                pv_hi = jnp.where(lanes == h + H, pv, pv_hi)
            for cc in range(HD // 16):
                pb[i, pl.ds(cc * 16, 16)] = z16
            pb[i, pl.ds(slot * 16, 16)] = jnp.where(odd == 1, pv_hi, pv_lo)
            return 0
        lax.fori_loop(0, C, edge, 0)

        pltpu.sync_copy(web, we_hbm.at[pl.ds(base, C)])
        pltpu.sync_copy(mb, acc_sh.at[dst_c], add=True)
        pltpu.sync_copy(pb, acc_p.at[d16], add=True)
        return 0
    lax.fori_loop(0, NCHUNK, chunk, 0)

    plsc.subcore_barrier()
    pltpu.sync_copy(acc_sh.at[pl.ds(sid * RPT, RPT)],
                    acc_hbm.at[pl.ds(cid * NACC + sid * RPT, RPT)])
    pltpu.sync_copy(acc_p.at[pl.ds(sid * (NPR // NS), NPR // NS)],
                    pacc_hbm.at[pl.ds(cid * NPR + sid * (NPR // NS),
                                      NPR // NS)])


def _edges(src_r, dst_r, k, q, v, e):
    mesh = plsc.VectorSubcoreMesh(core_axis_name="c", subcore_axis_name="s")
    f = pl.kernel(
        _edge_body,
        out_type=[
            jax.ShapeDtypeStruct((EG, HD), jnp.float32),
            jax.ShapeDtypeStruct((NC * NACC, HD), jnp.float32),
            jax.ShapeDtypeStruct((NC * NPR, HD), jnp.float32),
        ],
        mesh=mesh,
        compiler_params=pltpu.CompilerParams(needs_layout_passes=False),
        scratch_types=[
            pltpu.VMEM_SHARED((NACC, HD), jnp.float32),
            pltpu.VMEM_SHARED((NPR, HD), jnp.float32),
            pltpu.SemaphoreType.DMA,
            pltpu.SemaphoreType.DMA,
            pltpu.SemaphoreType.DMA,
            pltpu.SemaphoreType.DMA,
        ],
    )
    return f(src_r, dst_r, k, q, v, e)


def _comb_body(a_ref, p_ref, wv_ref):
    num = a_ref[0] + a_ref[1]
    den = jnp.sum(p_ref[...], axis=0) + 1e-16
    rep = (lax.broadcasted_iota(jnp.int32, (H, HD), 1) // D ==
           lax.broadcasted_iota(jnp.int32, (H, HD), 0)).astype(jnp.float32)
    wv_ref[...] = num / jnp.dot(den, rep, preferred_element_type=jnp.float32)


def _combine(acc, paccs):
    blk = 1000
    return pl.pallas_call(
        _comb_body,
        grid=(N // blk,),
        in_specs=[
            pl.BlockSpec((NC, blk, HD), lambda i: (0, i, 0)),
            pl.BlockSpec((NC, blk, H), lambda i: (0, i, 0)),
        ],
        out_specs=pl.BlockSpec((blk, HD), lambda i: (i, 0)),
        out_shape=jax.ShapeDtypeStruct((N, HD), jnp.float32),
    )(acc, paccs)


def kernel(x, edge_index, edge_attr, WQ, bQ, WK, WE1, bE1, WV):
    w_all = jnp.concatenate([WQ, WK, WV], axis=1)
    zb = jnp.zeros_like(bQ)
    b_all = jnp.tile(jnp.concatenate([bQ, zb, zb])[None, :], (8, 1))
    q, k, v = _qkv(x, w_all, b_all)
    e = _eproj(edge_attr, WE1, jnp.tile(bE1[None, :], (8, 1)))
    src_r = edge_index[0]
    dst_r = edge_index[1]
    we, acc, paccs = _edges(src_r, dst_r, k, q, v, e)
    wv = _combine(acc.reshape(NC, NACC, HD), paccs.reshape(NC, NACC, H))
    return wv.reshape(N, H, D), we

# --- scband reference (transcript-rebuilt; emitter-appended) ---
"""Pipeline reference for scband-denoising-transformer-layer-19507741458644 (READ-ONLY COPY).

The authoritative reference and input builder live on the scoring server;
editing this copy changes nothing except your own understanding.
"""

import jax, jax.numpy as jnp
import numpy as np

N = 10000
EG = 320000
IN_DIM = 128
H = 8
D = 16
CLAMP = 5.0


def _xavier(key, shape):
    fan_in, fan_out = shape[0], shape[1]
    std = np.sqrt(2.0 / (fan_in + fan_out))
    return jax.random.normal(key, shape, dtype=jnp.float32) * std


def setup_inputs(seed: int = 0) -> dict:
    key = jax.random.key(seed)
    ks = jax.random.split(key, 10)
    x = jax.random.normal(ks[0], (N, IN_DIM), dtype=jnp.float32)
    edge_index = jax.random.randint(ks[1], (2, EG), 0, N, dtype=jnp.int32)
    edge_attr = jax.random.normal(ks[2], (EG, IN_DIM), dtype=jnp.float32)
    WQ = _xavier(ks[3], (IN_DIM, H * D))
    bQ = jnp.zeros((H * D,), dtype=jnp.float32)
    WK = _xavier(ks[4], (IN_DIM, H * D))  # use_bias=False -> no bK
    WE1 = _xavier(ks[5], (IN_DIM, H * D))
    bE1 = jnp.zeros((H * D,), dtype=jnp.float32)
    WV = _xavier(ks[6], (IN_DIM, H * D))  # use_bias=False -> no bV
    return {"x": x, "edge_index": edge_index, "edge_attr": edge_attr,
            "WQ": WQ, "bQ": bQ, "WK": WK, "WE1": WE1, "bE1": bE1, "WV": WV}


def reference(x, edge_index, edge_attr, WQ, bQ, WK, WE1, bE1, WV):
    # Linear projections (condition='unconditional', edge_attr present)
    Q_h = (x @ WQ + bQ).reshape(-1, H, D)
    K = (x @ WK).reshape(-1, H, D)
    V = (x @ WV).reshape(-1, H, D)
    E = (edge_attr @ WE1 + bE1).reshape(-1, H, D)

    src_idx = edge_index[0]
    dst_idx = edge_index[1]

    # propagate_attention, type='node_wise'
    src = K[src_idx]                     # gather
    dest = Q_h[dst_idx]                  # gather
    score = src * dest                   # attn_product='mul'
    score_e = score * E
    # signed_sqrt=False, no E_prompt/G_prompt, act=Identity (score_act w/ Identity)
    e_t = score_e
    wE = score_e.reshape(score_e.shape[0], -1)

    # attn_reweight=False -> sum over feature dim
    score_h = jnp.sum(score_e, axis=-1, keepdims=True)
    # scaled_attn
    score_h = score_h / jnp.sqrt(jnp.float32(D))
    # clamp
    score_h = jnp.clip(score_h, -CLAMP, CLAMP)

    # pyg_softmax over dst index
    smax = jax.ops.segment_max(score_h, dst_idx, num_segments=N)
    score_h = jnp.exp(score_h - smax[dst_idx])
    ssum = jax.ops.segment_sum(score_h, dst_idx, num_segments=N) + 1e-16
    score_h = score_h / ssum[dst_idx]

    msg = V[src_idx] * score_h
    wV = jax.ops.segment_sum(msg, dst_idx, num_segments=N)

    # edge_enhance=True, edge_reweight=False
    rowV = jax.ops.segment_sum(e_t * score_h, dst_idx, num_segments=N)
    wV = wV + rowV
    return wV, wE


if False:  # reference __main__ guard neutralized (emitter)
    out = reference(**setup_inputs())
    print(out[0].shape, out[1].shape)

if __name__ == "__main__":
    import jax
    _d = setup_inputs()
    print(jax.jit(kernel)(*tuple(_d.values())))

</pallas_src>

<mosaic_0001>
#map = affine_map<(d0, d1) -> (0)>
#map1 = affine_map<(d0, d1) -> (0, 0)>
module attributes {stable_mosaic.version = 14 : i64} {
  func.func @_edge_body(%arg0: i32, %arg1: i32, %arg2: memref<320000xi32, #tpu.memory_space<hbm>>, %arg3: memref<320000xi32, #tpu.memory_space<hbm>>, %arg4: memref<10000x128xf32, #tpu.memory_space<hbm>>, %arg5: memref<10000x128xf32, #tpu.memory_space<hbm>>, %arg6: memref<10000x128xf32, #tpu.memory_space<hbm>>, %arg7: memref<320000x128xf32, #tpu.memory_space<hbm>>, %arg8: memref<320000x128xf32, #tpu.memory_space<hbm>>, %arg9: memref<20480x128xf32, #tpu.memory_space<hbm>>, %arg10: memref<1280x128xf32, #tpu.memory_space<hbm>>, %arg11: memref<10240x128xf32, #tpu.memory_space<vmem_shared>>, %arg12: memref<640x128xf32, #tpu.memory_space<vmem_shared>>, %arg13: memref<!tpu.dma_semaphore, #tpu.memory_space<semaphore_mem>>, %arg14: memref<!tpu.dma_semaphore, #tpu.memory_space<semaphore_mem>>, %arg15: memref<!tpu.dma_semaphore, #tpu.memory_space<semaphore_mem>>, %arg16: memref<!tpu.dma_semaphore, #tpu.memory_space<semaphore_mem>>) attributes {dimension_semantics = [#tpu.dimension_semantics<core_parallel>, #tpu.dimension_semantics<subcore_parallel>], iteration_bounds = array<i64: 2, 16>, scalar_prefetch = 0 : i64, scratch_operands = 6 : i64, tpu.core_type = #tpu.core_type<sc_vector_subcore>, window_params = [{transform_indices = #map}, {transform_indices = #map}, {transform_indices = #map1}, {transform_indices = #map1}, {transform_indices = #map1}, {transform_indices = #map1}, {transform_indices = #map1}, {transform_indices = #map1}, {transform_indices = #map1}]} {
    "tpu.region"() ({
      %run_scoped3A = memref.alloca() : memref<40xi32, #tpu.memory_space<vmem>>
      %run_scoped3A_0 = memref.alloca() : memref<40xi32, #tpu.memory_space<vmem>>
      %run_scoped3A_1 = memref.alloca() : memref<56xi32, #tpu.memory_space<vmem>>
      %run_scoped3A_2 = memref.alloca() : memref<40xi32, #tpu.memory_space<vmem>>
      %run_scoped3A_3 = memref.alloca() : memref<40x128xf32, #tpu.memory_space<vmem>>
      %run_scoped3A_4 = memref.alloca() : memref<40x128xf32, #tpu.memory_space<vmem>>
      %run_scoped3A_5 = memref.alloca() : memref<40x128xf32, #tpu.memory_space<vmem>>
      %run_scoped3A_6 = memref.alloca() : memref<40x128xf32, #tpu.memory_space<vmem>>
      %run_scoped3A_7 = memref.alloca() : memref<40x128xf32, #tpu.memory_space<vmem>>
      %run_scoped3A_8 = memref.alloca() : memref<40x128xf32, #tpu.memory_space<vmem>>
      %run_scoped3A_9 = memref.alloca() : memref<40x128xf32, #tpu.memory_space<vmem>>
      %mul3A = arith.constant 2 : i32
      %mul3A_10 = arith.muli %arg1, %mul3A : i32
      %add3A = arith.addi %mul3A_10, %arg0 : i32
      %iota3A = tpu.iota {dimensions = array<i32: 0>} : vector<16xi32>
      %broadcast_in_dim3A = arith.constant 0.000000e+00 : f32
      %broadcast_in_dim3A_11 = vector.broadcast %broadcast_in_dim3A : f32 to vector<16xf32>
      %scan3A = arith.constant 0 : i32
      %scan3A_12 = arith.constant 0 : i32
      %scan3A_13 = arith.constant 40 : i32
      %scan3A_14 = arith.addi %scan3A_12, %scan3A_13 : i32
      %scan3A_15 = arith.constant 1 : i32
      %scan3A_16 = scf.for %scan3A_106 = %scan3A_12 to %scan3A_14 step %scan3A_15 iter_args(%scan3A_107 = %scan3A) -> (i32)  : i32 {
        %swap3A = arith.index_cast %scan3A_106 : i32 to index
        %swap3A_108 = arith.constant 0 : index
        %swap3A_109 = tpu.vector_load %run_scoped3A_8[%swap3A, %swap3A_108] {strides = array<i32>} : memref<40x128xf32, #tpu.memory_space<vmem>>, vector<16xf32>,
        tpu.vector_store %run_scoped3A_8[%swap3A, %swap3A_108], %broadcast_in_dim3A_11 {strides = array<i32>} : memref<40x128xf32, #tpu.memory_space<vmem>>, vector<16xf32>,
        %swap3A_110 = arith.index_cast %scan3A_106 : i32 to index
        %swap3A_111 = arith.constant 16 : index
        %swap3A_112 = tpu.vector_load %run_scoped3A_8[%swap3A_110, %swap3A_111] {strides = array<i32>} : memref<40x128xf32, #tpu.memory_space<vmem>>, vector<16xf32>,
        tpu.vector_store %run_scoped3A_8[%swap3A_110, %swap3A_111], %broadcast_in_dim3A_11 {strides = array<i32>} : memref<40x128xf32, #tpu.memory_space<vmem>>, vector<16xf32>,
        %swap3A_113 = arith.index_cast %scan3A_106 : i32 to index
        %swap3A_114 = arith.constant 32 : index
        %swap3A_115 = tpu.vector_load %run_scoped3A_8[%swap3A_113, %swap3A_114] {strides = array<i32>} : memref<40x128xf32, #tpu.memory_space<vmem>>, vector<16xf32>,
        tpu.vector_store %run_scoped3A_8[%swap3A_113, %swap3A_114], %broadcast_in_dim3A_11 {strides = array<i32>} : memref<40x128xf32, #tpu.memory_space<vmem>>, vector<16xf32>,
        %swap3A_116 = arith.index_cast %scan3A_106 : i32 to index
        %swap3A_117 = arith.constant 48 : index
        %swap3A_118 = tpu.vector_load %run_scoped3A_8[%swap3A_116, %swap3A_117] {strides = array<i32>} : memref<40x128xf32, #tpu.memory_space<vmem>>, vector<16xf32>,
        tpu.vector_store %run_scoped3A_8[%swap3A_116, %swap3A_117], %broadcast_in_dim3A_11 {strides = array<i32>} : memref<40x128xf32, #tpu.memory_space<vmem>>, vector<16xf32>,
        %swap3A_119 = arith.index_cast %scan3A_106 : i32 to index
        %swap3A_120 = arith.constant 64 : index
        %swap3A_121 = tpu.vector_load %run_scoped3A_8[%swap3A_119, %swap3A_120] {strides = array<i32>} : memref<40x128xf32, #tpu.memory_space<vmem>>, vector<16xf32>,
        tpu.vector_store %run_scoped3A_8[%swap3A_119, %swap3A_120], %broadcast_in_dim3A_11 {strides = array<i32>} : memref<40x128xf32, #tpu.memory_space<vmem>>, vector<16xf32>,
        %swap3A_122 = arith.index_cast %scan3A_106 : i32 to index
        %swap3A_123 = arith.constant 80 : index
        %swap3A_124 = tpu.vector_load %run_scoped3A_8[%swap3A_122, %swap3A_123] {strides = array<i32>} : memref<40x128xf32, #tpu.memory_space<vmem>>, vector<16xf32>,
        tpu.vector_store %run_scoped3A_8[%swap3A_122, %swap3A_123], %broadcast_in_dim3A_11 {strides = array<i32>} : memref<40x128xf32, #tpu.memory_space<vmem>>, vector<16xf32>,
        %swap3A_125 = arith.index_cast %scan3A_106 : i32 to index
        %swap3A_126 = arith.constant 96 : index
        %swap3A_127 = tpu.vector_load %run_scoped3A_8[%swap3A_125, %swap3A_126] {strides = array<i32>} : memref<40x128xf32, #tpu.memory_space<vmem>>, vector<16xf32>,
        tpu.vector_store %run_scoped3A_8[%swap3A_125, %swap3A_126], %broadcast_in_dim3A_11 {strides = array<i32>} : memref<40x128xf32, #tpu.memory_space<vmem>>, vector<16xf32>,
        %swap3A_128 = arith.index_cast %scan3A_106 : i32 to index
        %swap3A_129 = arith.constant 112 : index
        %swap3A_130 = tpu.vector_load %run_scoped3A_8[%swap3A_128, %swap3A_129] {strides = array<i32>} : memref<40x128xf32, #tpu.memory_space<vmem>>, vector<16xf32>,
        tpu.vector_store %run_scoped3A_8[%swap3A_128, %swap3A_129], %broadcast_in_dim3A_11 {strides = array<i32>} : memref<40x128xf32, #tpu.memory_space<vmem>>, vector<16xf32>,
        %scan3A_131 = arith.constant 0 : i32
        scf.yield %scan3A_131 : i32
      }
      %scan3A_17 = arith.constant 40 : i32
      %mul3A_18 = arith.constant 640 : i32
      %mul3A_19 = arith.muli %arg1, %mul3A_18 : i32
      %add3A_20 = arith.constant 0 : i32
      %add3A_21 = arith.addi %mul3A_19, %add3A_20 : i32
      "tpu.region"() ({
        %run_scoped3A_106 = tpu.sem_alloc : memref<!tpu.dma_semaphore, #tpu.memory_space<semaphore_mem>>
        %dma_start3A = arith.constant 0 : i32
        %dma_start3A_107 = tpu.memref_slice %arg11[%add3A_21, %dma_start3A] : memref<10240x128xf32, #tpu.memory_space<vmem_shared>> -> memref<40x128xf32, #tpu.memory_space<vmem_shared>>
        %dma_start3A_108 = arith.constant 0 : i32
        %dma_start3A_109 = tpu.memref_slice %arg11[%add3A_21, %dma_start3A_108] : memref<10240x128xf32, #tpu.memory_space<vmem_shared>> -> memref<40x128xf32, #tpu.memory_space<vmem_shared>>
        tpu.enqueue_dma source(%run_scoped3A_8 : memref<40x128xf32, #tpu.memory_space<vmem>>) target(%dma_start3A_109 : memref<40x128xf32, #tpu.memory_space<vmem_shared>>) target_semaphore(%run_scoped3A_106 : memref<!tpu.dma_semaphore, #tpu.memory_space<semaphore_mem>>)
        %dma_wait3A = arith.constant 0 : i32
        %dma_wait3A_110 = tpu.memref_slice %arg11[%add3A_21, %dma_wait3A] : memref<10240x128xf32, #tpu.memory_space<vmem_shared>> -> memref<40x128xf32, #tpu.memory_space<vmem_shared>>
        %dma_wait3A_111 = arith.constant 0 : i32
        %dma_wait3A_112 = tpu.memref_slice %arg11[%add3A_21, %dma_wait3A_111] : memref<10240x128xf32, #tpu.memory_space<vmem_shared>> -> memref<40x128xf32, #tpu.memory_space<vmem_shared>>
        tpu.wait_dma2 semaphore(%run_scoped3A_106 : memref<!tpu.dma_semaphore, #tpu.memory_space<semaphore_mem>>) src(%run_scoped3A_8 : memref<40x128xf32, #tpu.memory_space<vmem>>) dst(%dma_wait3A_112 : memref<40x128xf32, #tpu.memory_space<vmem_shared>>)
        tpu.yield
      }) : () -> ()
      %mul3A_22 = arith.constant 640 : i32
      %mul3A_23 = arith.muli %arg1, %mul3A_22 : i32
      %add3A_24 = arith.constant 40 : i32
      %add3A_25 = arith.addi %mul3A_23, %add3A_24 : i32
      "tpu.region"() ({
        %run_scoped3A_106 = tpu.sem_alloc : memref<!tpu.dma_semaphore, #tpu.memory_space<semaphore_mem>>
        %dma_start3A = arith.constant 0 : i32
        %dma_start3A_107 = tpu.memref_slice %arg11[%add3A_25, %dma_start3A] : memref<10240x128xf32, #tpu.memory_space<vmem_shared>> -> memref<40x128xf32, #tpu.memory_space<vmem_shared>>
        %dma_start3A_108 = arith.constant 0 : i32
        %dma_start3A_109 = tpu.memref_slice %arg11[%add3A_25, %dma_start3A_108] : memref<10240x128xf32, #tpu.memory_space<vmem_shared>> -> memref<40x128xf32, #tpu.memory_space<vmem_shared>>
        tpu.enqueue_dma source(%run_scoped3A_8 : memref<40x128xf32, #tpu.memory_space<vmem>>) target(%dma_start3A_109 : memref<40x128xf32, #tpu.memory_space<vmem_shared>>) target_semaphore(%run_scoped3A_106 : memref<!tpu.dma_semaphore, #tpu.memory_space<semaphore_mem>>)
        %dma_wait3A = arith.constant 0 : i32
        %dma_wait3A_110 = tpu.memref_slice %arg11[%add3A_25, %dma_wait3A] : memref<10240x128xf32, #tpu.memory_space<vmem_shared>> -> memref<40x128xf32, #tpu.memory_space<vmem_shared>>
        %dma_wait3A_111 = arith.constant 0 : i32
        %dma_wait3A_112 = tpu.memref_slice %arg11[%add3A_25, %dma_wait3A_111] : memref<10240x128xf32, #tpu.memory_space<vmem_shared>> -> memref<40x128xf32, #tpu.memory_space<vmem_shared>>
        tpu.wait_dma2 semaphore(%run_scoped3A_106 : memref<!tpu.dma_semaphore, #tpu.memory_space<semaphore_mem>>) src(%run_scoped3A_8 : memref<40x128xf32, #tpu.memory_space<vmem>>) dst(%dma_wait3A_112 : memref<40x128xf32, #tpu.memory_space<vmem_shared>>)
        tpu.yield
      }) : () -> ()
      %mul3A_26 = arith.constant 640 : i32
      %mul3A_27 = arith.muli %arg1, %mul3A_26 : i32
      %add3A_28 = arith.constant 80 : i32
      %add3A_29 = arith.addi %mul3A_27, %add3A_28 : i32
      "tpu.region"() ({
        %run_scoped3A_106 = tpu.sem_alloc : memref<!tpu.dma_semaphore, #tpu.memory_space<semaphore_mem>>
        %dma_start3A = arith.constant 0 : i32
        %dma_start3A_107 = tpu.memref_slice %arg11[%add3A_29, %dma_start3A] : memref<10240x128xf32, #tpu.memory_space<vmem_shared>> -> memref<40x128xf32, #tpu.memory_space<vmem_shared>>
        %dma_start3A_108 = arith.constant 0 : i32
        %dma_start3A_109 = tpu.memref_slice %arg11[%add3A_29, %dma_start3A_108] : memref<10240x128xf32, #tpu.memory_space<vmem_shared>> -> memref<40x128xf32, #tpu.memory_space<vmem_shared>>
        tpu.enqueue_dma source(%run_scoped3A_8 : memref<40x128xf32, #tpu.memory_space<vmem>>) target(%dma_start3A_109 : memref<40x128xf32, #tpu.memory_space<vmem_shared>>) target_semaphore(%run_scoped3A_106 : memref<!tpu.dma_semaphore, #tpu.memory_space<semaphore_mem>>)
        %dma_wait3A = arith.constant 0 : i32
        %dma_wait3A_110 = tpu.memref_slice %arg11[%add3A_29, %dma_wait3A] : memref<10240x128xf32, #tpu.memory_space<vmem_shared>> -> memref<40x128xf32, #tpu.memory_space<vmem_shared>>
        %dma_wait3A_111 = arith.constant 0 : i32
        %dma_wait3A_112 = tpu.memref_slice %arg11[%add3A_29, %dma_wait3A_111] : memref<10240x128xf32, #tpu.memory_space<vmem_shared>> -> memref<40x128xf32, #tpu.memory_space<vmem_shared>>
        tpu.wait_dma2 semaphore(%run_scoped3A_106 : memref<!tpu.dma_semaphore, #tpu.memory_space<semaphore_mem>>) src(%run_scoped3A_8 : memref<40x128xf32, #tpu.memory_space<vmem>>) dst(%dma_wait3A_112 : memref<40x128xf32, #tpu.memory_space<vmem_shared>>)
        tpu.yield
      }) : () -> ()
      %mul3A_30 = arith.constant 640 : i32
      %mul3A_31 = arith.muli %arg1, %mul3A_30 : i32
      %add3A_32 = arith.constant 120 : i32
      %add3A_33 = arith.addi %mul3A_31, %add3A_32 : i32
      "tpu.region"() ({
        %run_scoped3A_106 = tpu.sem_alloc : memref<!tpu.dma_semaphore, #tpu.memory_space<semaphore_mem>>
        %dma_start3A = arith.constant 0 : i32
        %dma_start3A_107 = tpu.memref_slice %arg11[%add3A_33, %dma_start3A] : memref<10240x128xf32, #tpu.memory_space<vmem_shared>> -> memref<40x128xf32, #tpu.memory_space<vmem_shared>>
        %dma_start3A_108 = arith.constant 0 : i32
        %dma_start3A_109 = tpu.memref_slice %arg11[%add3A_33, %dma_start3A_108] : memref<10240x128xf32, #tpu.memory_space<vmem_shared>> -> memref<40x128xf32, #tpu.memory_space<vmem_shared>>
        tpu.enqueue_dma source(%run_scoped3A_8 : memref<40x128xf32, #tpu.memory_space<vmem>>) target(%dma_start3A_109 : memref<40x128xf32, #tpu.memory_space<vmem_shared>>) target_semaphore(%run_scoped3A_106 : memref<!tpu.dma_semaphore, #tpu.memory_space<semaphore_mem>>)
        %dma_wait3A = arith.constant 0 : i32
        %dma_wait3A_110 = tpu.memref_slice %arg11[%add3A_33, %dma_wait3A] : memref<10240x128xf32, #tpu.memory_space<vmem_shared>> -> memref<40x128xf32, #tpu.memory_space<vmem_shared>>
        %dma_wait3A_111 = arith.constant 0 : i32
        %dma_wait3A_112 = tpu.memref_slice %arg11[%add3A_33, %dma_wait3A_111] : memref<10240x128xf32, #tpu.memory_space<vmem_shared>> -> memref<40x128xf32, #tpu.memory_space<vmem_shared>>
        tpu.wait_dma2 semaphore(%run_scoped3A_106 : memref<!tpu.dma_semaphore, #tpu.memory_space<semaphore_mem>>) src(%run_scoped3A_8 : memref<40x128xf32, #tpu.memory_space<vmem>>) dst(%dma_wait3A_112 : memref<40x128xf32, #tpu.memory_space<vmem_shared>>)
        tpu.yield
      }) : () -> ()
      %mul3A_34 = arith.constant 640 : i32
      %mul3A_35 = arith.muli %arg1, %mul3A_34 : i32
      %add3A_36 = arith.constant 160 : i32
      %add3A_37 = arith.addi %mul3A_35, %add3A_36 : i32
      "tpu.region"() ({
        %run_scoped3A_106 = tpu.sem_alloc : memref<!tpu.dma_semaphore, #tpu.memory_space<semaphore_mem>>
        %dma_start3A = arith.constant 0 : i32
        %dma_start3A_107 = tpu.memref_slice %arg11[%add3A_37, %dma_start3A] : memref<10240x128xf32, #tpu.memory_space<vmem_shared>> -> memref<40x128xf32, #tpu.memory_space<vmem_shared>>
        %dma_start3A_108 = arith.constant 0 : i32
        %dma_start3A_109 = tpu.memref_slice %arg11[%add3A_37, %dma_start3A_108] : memref<10240x128xf32, #tpu.memory_space<vmem_shared>> -> memref<40x128xf32, #tpu.memory_space<vmem_shared>>
        tpu.enqueue_dma source(%run_scoped3A_8 : memref<40x128xf32, #tpu.memory_space<vmem>>) target(%dma_start3A_109 : memref<40x128xf32, #tpu.memory_space<vmem_shared>>) target_semaphore(%run_scoped3A_106 : memref<!tpu.dma_semaphore, #tpu.memory_space<semaphore_mem>>)
        %dma_wait3A = arith.constant 0 : i32
        %dma_wait3A_110 = tpu.memref_slice %arg11[%add3A_37, %dma_wait3A] : memref<10240x128xf32, #tpu.memory_space<vmem_shared>> -> memref<40x128xf32, #tpu.memory_space<vmem_shared>>
        %dma_wait3A_111 = arith.constant 0 : i32
        %dma_wait3A_112 = tpu.memref_slice %arg11[%add3A_37, %dma_wait3A_111] : memref<10240x128xf32, #tpu.memory_space<vmem_shared>> -> memref<40x128xf32, #tpu.memory_space<vmem_shared>>
        tpu.wait_dma2 semaphore(%run_scoped3A_106 : memref<!tpu.dma_semaphore, #tpu.memory_space<semaphore_mem>>) src(%run_scoped3A_8 : memref<40x128xf32, #tpu.memory_space<vmem>>) dst(%dma_wait3A_112 : memref<40x128xf32, #tpu.memory_space<vmem_shared>>)
        tpu.yield
      }) : () -> ()
      %mul3A_38 = arith.constant 640 : i32
      %mul3A_39 = arith.muli %arg1, %mul3A_38 : i32
      %add3A_40 = arith.constant 200 : i32
      %add3A_41 = arith.addi %mul3A_39, %add3A_40 : i32
      "tpu.region"() ({
        %run_scoped3A_106 = tpu.sem_alloc : memref<!tpu.dma_semaphore, #tpu.memory_space<semaphore_mem>>
        %dma_start3A = arith.constant 0 : i32
        %dma_start3A_107 = tpu.memref_slice %arg11[%add3A_41, %dma_start3A] : memref<10240x128xf32, #tpu.memory_space<vmem_shared>> -> memref<40x128xf32, #tpu.memory_space<vmem_shared>>
        %dma_start3A_108 = arith.constant 0 : i32
        %dma_start3A_109 = tpu.memref_slice %arg11[%add3A_41, %dma_start3A_108] : memref<10240x128xf32, #tpu.memory_space<vmem_shared>> -> memref<40x128xf32, #tpu.memory_space<vmem_shared>>
        tpu.enqueue_dma source(%run_scoped3A_8 : memref<40x128xf32, #tpu.memory_space<vmem>>) target(%dma_start3A_109 : memref<40x128xf32, #tpu.memory_space<vmem_shared>>) target_semaphore(%run_scoped3A_106 : memref<!tpu.dma_semaphore, #tpu.memory_space<semaphore_mem>>)
        %dma_wait3A = arith.constant 0 : i32
        %dma_wait3A_110 = tpu.memref_slice %arg11[%add3A_41, %dma_wait3A] : memref<10240x128xf32, #tpu.memory_space<vmem_shared>> -> memref<40x128xf32, #tpu.memory_space<vmem_shared>>
        %dma_wait3A_111 = arith.constant 0 : i32
        %dma_wait3A_112 = tpu.memref_slice %arg11[%add3A_41, %dma_wait3A_111] : memref<10240x128xf32, #tpu.memory_space<vmem_shared>> -> memref<40x128xf32, #tpu.memory_space<vmem_shared>>
        tpu.wait_dma2 semaphore(%run_scoped3A_106 : memref<!tpu.dma_semaphore, #tpu.memory_space<semaphore_mem>>) src(%run_scoped3A_8 : memref<40x128xf32, #tpu.memory_space<vmem>>) dst(%dma_wait3A_112 : memref<40x128xf32, #tpu.memory_space<vmem_shared>>)
        tpu.yield
      }) : () -> ()
      %mul3A_42 = arith.constant 640 : i32
      %mul3A_43 = arith.muli %arg1, %mul3A_42 : i32
      %add3A_44 = arith.constant 240 : i32
      %add3A_45 = arith.addi %mul3A_43, %add3A_44 : i32
      "tpu.region"() ({
        %run_scoped3A_106 = tpu.sem_alloc : memref<!tpu.dma_semaphore, #tpu.memory_space<semaphore_mem>>
        %dma_start3A = arith.constant 0 : i32
        %dma_start3A_107 = tpu.memref_slice %arg11[%add3A_45, %dma_start3A] : memref<10240x128xf32, #tpu.memory_space<vmem_shared>> -> memref<40x128xf32, #tpu.memory_space<vmem_shared>>
        %dma_start3A_108 = arith.constant 0 : i32
        %dma_start3A_109 = tpu.memref_slice %arg11[%add3A_45, %dma_start3A_108] : memref<10240x128xf32, #tpu.memory_space<vmem_shared>> -> memref<40x128xf32, #tpu.memory_space<vmem_shared>>
        tpu.enqueue_dma source(%run_scoped3A_8 : memref<40x128xf32, #tpu.memory_space<vmem>>) target(%dma_start3A_109 : memref<40x128xf32, #tpu.memory_space<vmem_shared>>) target_semaphore(%run_scoped3A_106 : memref<!tpu.dma_semaphore, #tpu.memory_space<semaphore_mem>>)
        %dma_wait3A = arith.constant 0 : i32
        %dma_wait3A_110 = tpu.memref_slice %arg11[%add3A_45, %dma_wait3A] : memref<10240x128xf32, #tpu.memory_space<vmem_shared>> -> memref<40x128xf32, #tpu.memory_space<vmem_shared>>
        %dma_wait3A_111 = arith.constant 0 : i32
        %dma_wait3A_112 = tpu.memref_slice %arg11[%add3A_45, %dma_wait3A_111] : memref<10240x128xf32, #tpu.memory_space<vmem_shared>> -> memref<40x128xf32, #tpu.memory_space<vmem_shared>>
        tpu.wait_dma2 semaphore(%run_scoped3A_106 : memref<!tpu.dma_semaphore, #tpu.memory_space<semaphore_mem>>) src(%run_scoped3A_8 : memref<40x128xf32, #tpu.memory_space<vmem>>) dst(%dma_wait3A_112 : memref<40x128xf32, #tpu.memory_space<vmem_shared>>)
        tpu.yield
      }) : () -> ()
      %mul3A_46 = arith.constant 640 : i32
      %mul3A_47 = arith.muli %arg1, %mul3A_46 : i32
      %add3A_48 = arith.constant 280 : i32
      %add3A_49 = arith.addi %mul3A_47, %add3A_48 : i32
      "tpu.region"() ({
        %run_scoped3A_106 = tpu.sem_alloc : memref<!tpu.dma_semaphore, #tpu.memory_space<semaphore_mem>>
        %dma_start3A = arith.constant 0 : i32
        %dma_start3A_107 = tpu.memref_slice %arg11[%add3A_49, %dma_start3A] : memref<10240x128xf32, #tpu.memory_space<vmem_shared>> -> memref<40x128xf32, #tpu.memory_space<vmem_shared>>
        %dma_start3A_108 = arith.constant 0 : i32
        %dma_start3A_109 = tpu.memref_slice %arg11[%add3A_49, %dma_start3A_108] : memref<10240x128xf32, #tpu.memory_space<vmem_shared>> -> memref<40x128xf32, #tpu.memory_space<vmem_shared>>
        tpu.enqueue_dma source(%run_scoped3A_8 : memref<40x128xf32, #tpu.memory_space<vmem>>) target(%dma_start3A_109 : memref<40x128xf32, #tpu.memory_space<vmem_shared>>) target_semaphore(%run_scoped3A_106 : memref<!tpu.dma_semaphore, #tpu.memory_space<semaphore_mem>>)
        %dma_wait3A = arith.constant 0 : i32
        %dma_wait3A_110 = tpu.memref_slice %arg11[%add3A_49, %dma_wait3A] : memref<10240x128xf32, #tpu.memory_space<vmem_shared>> -> memref<40x128xf32, #tpu.memory_space<vmem_shared>>
        %dma_wait3A_111 = arith.constant 0 : i32
        %dma_wait3A_112 = tpu.memref_slice %arg11[%add3A_49, %dma_wait3A_111] : memref<10240x128xf32, #tpu.memory_space<vmem_shared>> -> memref<40x128xf32, #tpu.memory_space<vmem_shared>>
        tpu.wait_dma2 semaphore(%run_scoped3A_106 : memref<!tpu.dma_semaphore, #tpu.memory_space<semaphore_mem>>) src(%run_scoped3A_8 : memref<40x128xf32, #tpu.memory_space<vmem>>) dst(%dma_wait3A_112 : memref<40x128xf32, #tpu.memory_space<vmem_shared>>)
        tpu.yield
      }) : () -> ()
      %mul3A_50 = arith.constant 640 : i32
      %mul3A_51 = arith.muli %arg1, %mul3A_50 : i32
      %add3A_52 = arith.constant 320 : i32
      %add3A_53 = arith.addi %mul3A_51, %add3A_52 : i32
      "tpu.region"() ({
        %run_scoped3A_106 = tpu.sem_alloc : memref<!tpu.dma_semaphore, #tpu.memory_space<semaphore_mem>>
        %dma_start3A = arith.constant 0 : i32
        %dma_start3A_107 = tpu.memref_slice %arg11[%add3A_53, %dma_start3A] : memref<10240x128xf32, #tpu.memory_space<vmem_shared>> -> memref<40x128xf32, #tpu.memory_space<vmem_shared>>
        %dma_start3A_108 = arith.constant 0 : i32
        %dma_start3A_109 = tpu.memref_slice %arg11[%add3A_53, %dma_start3A_108] : memref<10240x128xf32, #tpu.memory_space<vmem_shared>> -> memref<40x128xf32, #tpu.memory_space<vmem_shared>>
        tpu.enqueue_dma source(%run_scoped3A_8 : memref<40x128xf32, #tpu.memory_space<vmem>>) target(%dma_start3A_109 : memref<40x128xf32, #tpu.memory_space<vmem_shared>>) target_semaphore(%run_scoped3A_106 : memref<!tpu.dma_semaphore, #tpu.memory_space<semaphore_mem>>)
        %dma_wait3A = arith.constant 0 : i32
        %dma_wait3A_110 = tpu.memref_slice %arg11[%add3A_53, %dma_wait3A] : memref<10240x128xf32, #tpu.memory_space<vmem_shared>> -> memref<40x128xf32, #tpu.memory_space<vmem_shared>>
        %dma_wait3A_111 = arith.constant 0 : i32
        %dma_wait3A_112 = tpu.memref_slice %arg11[%add3A_53, %dma_wait3A_111] : memref<10240x128xf32, #tpu.memory_space<vmem_shared>> -> memref<40x128xf32, #tpu.memory_space<vmem_shared>>
        tpu.wait_dma2 semaphore(%run_scoped3A_106 : memref<!tpu.dma_semaphore, #tpu.memory_space<semaphore_mem>>) src(%run_scoped3A_8 : memref<40x128xf32, #tpu.memory_space<vmem>>) dst(%dma_wait3A_112 : memref<40x128xf32, #tpu.memory_space<vmem_shared>>)
        tpu.yield
      }) : () -> ()
      %mul3A_54 = arith.constant 640 : i32
      %mul3A_55 = arith.muli %arg1, %mul3A_54 : i32
      %add3A_56 = arith.constant 360 : i32
      %add3A_57 = arith.addi %mul3A_55, %add3A_56 : i32
      "tpu.region"() ({
        %run_scoped3A_106 = tpu.sem_alloc : memref<!tpu.dma_semaphore, #tpu.memory_space<semaphore_mem>>
        %dma_start3A = arith.constant 0 : i32
        %dma_start3A_107 = tpu.memref_slice %arg11[%add3A_57, %dma_start3A] : memref<10240x128xf32, #tpu.memory_space<vmem_shared>> -> memref<40x128xf32, #tpu.memory_space<vmem_shared>>
        %dma_start3A_108 = arith.constant 0 : i32
        %dma_start3A_109 = tpu.memref_slice %arg11[%add3A_57, %dma_start3A_108] : memref<10240x128xf32, #tpu.memory_space<vmem_shared>> -> memref<40x128xf32, #tpu.memory_space<vmem_shared>>
        tpu.enqueue_dma source(%run_scoped3A_8 : memref<40x128xf32, #tpu.memory_space<vmem>>) target(%dma_start3A_109 : memref<40x128xf32, #tpu.memory_space<vmem_shared>>) target_semaphore(%run_scoped3A_106 : memref<!tpu.dma_semaphore, #tpu.memory_space<semaphore_mem>>)
        %dma_wait3A = arith.constant 0 : i32
        %dma_wait3A_110 = tpu.memref_slice %arg11[%add3A_57, %dma_wait3A] : memref<10240x128xf32, #tpu.memory_space<vmem_shared>> -> memref<40x128xf32, #tpu.memory_space<vmem_shared>>
        %dma_wait3A_111 = arith.constant 0 : i32
        %dma_wait3A_112 = tpu.memref_slice %arg11[%add3A_57, %dma_wait3A_111] : memref<10240x128xf32, #tpu.memory_space<vmem_shared>> -> memref<40x128xf32, #tpu.memory_space<vmem_shared>>
        tpu.wait_dma2 semaphore(%run_scoped3A_106 : memref<!tpu.dma_semaphore, #tpu.memory_space<semaphore_mem>>) src(%run_scoped3A_8 : memref<40x128xf32, #tpu.memory_space<vmem>>) dst(%dma_wait3A_112 : memref<40x128xf32, #tpu.memory_space<vmem_shared>>)
        tpu.yield
      }) : () -> ()
      %mul3A_58 = arith.constant 640 : i32
      %mul3A_59 = arith.muli %arg1, %mul3A_58 : i32
      %add3A_60 = arith.constant 400 : i32
      %add3A_61 = arith.addi %mul3A_59, %add3A_60 : i32
      "tpu.region"() ({
        %run_scoped3A_106 = tpu.sem_alloc : memref<!tpu.dma_semaphore, #tpu.memory_space<semaphore_mem>>
        %dma_start3A = arith.constant 0 : i32
        %dma_start3A_107 = tpu.memref_slice %arg11[%add3A_61, %dma_start3A] : memref<10240x128xf32, #tpu.memory_space<vmem_shared>> -> memref<40x128xf32, #tpu.memory_space<vmem_shared>>
        %dma_start3A_108 = arith.constant 0 : i32
        %dma_start3A_109 = tpu.memref_slice %arg11[%add3A_61, %dma_start3A_108] : memref<10240x128xf32, #tpu.memory_space<vmem_shared>> -> memref<40x128xf32, #tpu.memory_space<vmem_shared>>
        tpu.enqueue_dma source(%run_scoped3A_8 : memref<40x128xf32, #tpu.memory_space<vmem>>) target(%dma_start3A_109 : memref<40x128xf32, #tpu.memory_space<vmem_shared>>) target_semaphore(%run_scoped3A_106 : memref<!tpu.dma_semaphore, #tpu.memory_space<semaphore_mem>>)
        %dma_wait3A = arith.constant 0 : i32
        %dma_wait3A_110 = tpu.memref_slice %arg11[%add3A_61, %dma_wait3A] : memref<10240x128xf32, #tpu.memory_space<vmem_shared>> -> memref<40x128xf32, #tpu.memory_space<vmem_shared>>
        %dma_wait3A_111 = arith.constant 0 : i32
        %dma_wait3A_112 = tpu.memref_slice %arg11[%add3A_61, %dma_wait3A_111] : memref<10240x128xf32, #tpu.memory_space<vmem_shared>> -> memref<40x128xf32, #tpu.memory_space<vmem_shared>>
        tpu.wait_dma2 semaphore(%run_scoped3A_106 : memref<!tpu.dma_semaphore, #tpu.memory_space<semaphore_mem>>) src(%run_scoped3A_8 : memref<40x128xf32, #tpu.memory_space<vmem>>) dst(%dma_wait3A_112 : memref<40x128xf32, #tpu.memory_space<vmem_shared>>)
        tpu.yield
      }) : () -> ()
      %mul3A_62 = arith.constant 640 : i32
      %mul3A_63 = arith.muli %arg1, %mul3A_62 : i32
      %add3A_64 = arith.constant 440 : i32
      %add3A_65 = arith.addi %mul3A_63, %add3A_64 : i32
      "tpu.region"() ({
        %run_scoped3A_106 = tpu.sem_alloc : memref<!tpu.dma_semaphore, #tpu.memory_space<semaphore_mem>>
        %dma_start3A = arith.constant 0 : i32
        %dma_start3A_107 = tpu.memref_slice %arg11[%add3A_65, %dma_start3A] : memref<10240x128xf32, #tpu.memory_space<vmem_shared>> -> memref<40x128xf32, #tpu.memory_space<vmem_shared>>
        %dma_start3A_108 = arith.constant 0 : i32
        %dma_start3A_109 = tpu.memref_slice %arg11[%add3A_65, %dma_start3A_108] : memref<10240x128xf32, #tpu.memory_space<vmem_shared>> -> memref<40x128xf32, #tpu.memory_space<vmem_shared>>
        tpu.enqueue_dma source(%run_scoped3A_8 : memref<40x128xf32, #tpu.memory_space<vmem>>) target(%dma_start3A_109 : memref<40x128xf32, #tpu.memory_space<vmem_shared>>) target_semaphore(%run_scoped3A_106 : memref<!tpu.dma_semaphore, #tpu.memory_space<semaphore_mem>>)
        %dma_wait3A = arith.constant 0 : i32
        %dma_wait3A_110 = tpu.memref_slice %arg11[%add3A_65, %dma_wait3A] : memref<10240x128xf32, #tpu.memory_space<vmem_shared>> -> memref<40x128xf32, #tpu.memory_space<vmem_shared>>
        %dma_wait3A_111 = arith.constant 0 : i32
        %dma_wait3A_112 = tpu.memref_slice %arg11[%add3A_65, %dma_wait3A_111] : memref<10240x128xf32, #tpu.memory_space<vmem_shared>> -> memref<40x128xf32, #tpu.memory_space<vmem_shared>>
        tpu.wait_dma2 semaphore(%run_scoped3A_106 : memref<!tpu.dma_semaphore, #tpu.memory_space<semaphore_mem>>) src(%run_scoped3A_8 : memref<40x128xf32, #tpu.memory_space<vmem>>) dst(%dma_wait3A_112 : memref<40x128xf32, #tpu.memory_space<vmem_shared>>)
        tpu.yield
      }) : () -> ()
      %mul3A_66 = arith.constant 640 : i32
      %mul3A_67 = arith.muli %arg1, %mul3A_66 : i32
      %add3A_68 = arith.constant 480 : i32
      %add3A_69 = arith.addi %mul3A_67, %add3A_68 : i32
      "tpu.region"() ({
        %run_scoped3A_106 = tpu.sem_alloc : memref<!tpu.dma_semaphore, #tpu.memory_space<semaphore_mem>>
        %dma_start3A = arith.constant 0 : i32
        %dma_start3A_107 = tpu.memref_slice %arg11[%add3A_69, %dma_start3A] : memref<10240x128xf32, #tpu.memory_space<vmem_shared>> -> memref<40x128xf32, #tpu.memory_space<vmem_shared>>
        %dma_start3A_108 = arith.constant 0 : i32
        %dma_start3A_109 = tpu.memref_slice %arg11[%add3A_69, %dma_start3A_108] : memref<10240x128xf32, #tpu.memory_space<vmem_shared>> -> memref<40x128xf32, #tpu.memory_space<vmem_shared>>
        tpu.enqueue_dma source(%run_scoped3A_8 : memref<40x128xf32, #tpu.memory_space<vmem>>) target(%dma_start3A_109 : memref<40x128xf32, #tpu.memory_space<vmem_shared>>) target_semaphore(%run_scoped3A_106 : memref<!tpu.dma_semaphore, #tpu.memory_space<semaphore_mem>>)
        %dma_wait3A = arith.constant 0 : i32
        %dma_wait3A_110 = tpu.memref_slice %arg11[%add3A_69, %dma_wait3A] : memref<10240x128xf32, #tpu.memory_space<vmem_shared>> -> memref<40x128xf32, #tpu.memory_space<vmem_shared>>
        %dma_wait3A_111 = arith.constant 0 : i32
        %dma_wait3A_112 = tpu.memref_slice %arg11[%add3A_69, %dma_wait3A_111] : memref<10240x128xf32, #tpu.memory_space<vmem_shared>> -> memref<40x128xf32, #tpu.memory_space<vmem_shared>>
        tpu.wait_dma2 semaphore(%run_scoped3A_106 : memref<!tpu.dma_semaphore, #tpu.memory_space<semaphore_mem>>) src(%run_scoped3A_8 : memref<40x128xf32, #tpu.memory_space<vmem>>) dst(%dma_wait3A_112 : memref<40x128xf32, #tpu.memory_space<vmem_shared>>)
        tpu.yield
      }) : () -> ()
      %mul3A_70 = arith.constant 640 : i32
      %mul3A_71 = arith.muli %arg1, %mul3A_70 : i32
      %add3A_72 = arith.constant 520 : i32
      %add3A_73 = arith.addi %mul3A_71, %add3A_72 : i32
      "tpu.region"() ({
        %run_scoped3A_106 = tpu.sem_alloc : memref<!tpu.dma_semaphore, #tpu.memory_space<semaphore_mem>>
        %dma_start3A = arith.constant 0 : i32
        %dma_start3A_107 = tpu.memref_slice %arg11[%add3A_73, %dma_start3A] : memref<10240x128xf32, #tpu.memory_space<vmem_shared>> -> memref<40x128xf32, #tpu.memory_space<vmem_shared>>
        %dma_start3A_108 = arith.constant 0 : i32
        %dma_start3A_109 = tpu.memref_slice %arg11[%add3A_73, %dma_start3A_108] : memref<10240x128xf32, #tpu.memory_space<vmem_shared>> -> memref<40x128xf32, #tpu.memory_space<vmem_shared>>
        tpu.enqueue_dma source(%run_scoped3A_8 : memref<40x128xf32, #tpu.memory_space<vmem>>) target(%dma_start3A_109 : memref<40x128xf32, #tpu.memory_space<vmem_shared>>) target_semaphore(%run_scoped3A_106 : memref<!tpu.dma_semaphore, #tpu.memory_space<semaphore_mem>>)
        %dma_wait3A = arith.constant 0 : i32
        %dma_wait3A_110 = tpu.memref_slice %arg11[%add3A_73, %dma_wait3A] : memref<10240x128xf32, #tpu.memory_space<vmem_shared>> -> memref<40x128xf32, #tpu.memory_space<vmem_shared>>
        %dma_wait3A_111 = arith.constant 0 : i32
        %dma_wait3A_112 = tpu.memref_slice %arg11[%add3A_73, %dma_wait3A_111] : memref<10240x128xf32, #tpu.memory_space<vmem_shared>> -> memref<40x128xf32, #tpu.memory_space<vmem_shared>>
        tpu.wait_dma2 semaphore(%run_scoped3A_106 : memref<!tpu.dma_semaphore, #tpu.memory_space<semaphore_mem>>) src(%run_scoped3A_8 : memref<40x128xf32, #tpu.memory_space<vmem>>) dst(%dma_wait3A_112 : memref<40x128xf32, #tpu.memory_space<vmem_shared>>)
        tpu.yield
      }) : () -> ()
      %mul3A_74 = arith.constant 640 : i32
      %mul3A_75 = arith.muli %arg1, %mul3A_74 : i32
      %add3A_76 = arith.constant 560 : i32
      %add3A_77 = arith.addi %mul3A_75, %add3A_76 : i32
      "tpu.region"() ({
        %run_scoped3A_106 = tpu.sem_alloc : memref<!tpu.dma_semaphore, #tpu.memory_space<semaphore_mem>>
        %dma_start3A = arith.constant 0 : i32
        %dma_start3A_107 = tpu.memref_slice %arg11[%add3A_77, %dma_start3A] : memref<10240x128xf32, #tpu.memory_space<vmem_shared>> -> memref<40x128xf32, #tpu.memory_space<vmem_shared>>
        %dma_start3A_108 = arith.constant 0 : i32
        %dma_start3A_109 = tpu.memref_slice %arg11[%add3A_77, %dma_start3A_108] : memref<10240x128xf32, #tpu.memory_space<vmem_shared>> -> memref<40x128xf32, #tpu.memory_space<vmem_shared>>
        tpu.enqueue_dma source(%run_scoped3A_8 : memref<40x128xf32, #tpu.memory_space<vmem>>) target(%dma_start3A_109 : memref<40x128xf32, #tpu.memory_space<vmem_shared>>) target_semaphore(%run_scoped3A_106 : memref<!tpu.dma_semaphore, #tpu.memory_space<semaphore_mem>>)
        %dma_wait3A = arith.constant 0 : i32
        %dma_wait3A_110 = tpu.memref_slice %arg11[%add3A_77, %dma_wait3A] : memref<10240x128xf32, #tpu.memory_space<vmem_shared>> -> memref<40x128xf32, #tpu.memory_space<vmem_shared>>
        %dma_wait3A_111 = arith.constant 0 : i32
        %dma_wait3A_112 = tpu.memref_slice %arg11[%add3A_77, %dma_wait3A_111] : memref<10240x128xf32, #tpu.memory_space<vmem_shared>> -> memref<40x128xf32, #tpu.memory_space<vmem_shared>>
        tpu.wait_dma2 semaphore(%run_scoped3A_106 : memref<!tpu.dma_semaphore, #tpu.memory_space<semaphore_mem>>) src(%run_scoped3A_8 : memref<40x128xf32, #tpu.memory_space<vmem>>) dst(%dma_wait3A_112 : memref<40x128xf32, #tpu.memory_space<vmem_shared>>)
        tpu.yield
      }) : () -> ()
      %mul3A_78 = arith.constant 640 : i32
      %mul3A_79 = arith.muli %arg1, %mul3A_78 : i32
      %add3A_80 = arith.constant 600 : i32
      %add3A_81 = arith.addi %mul3A_79, %add3A_80 : i32
      "tpu.region"() ({
        %run_scoped3A_106 = tpu.sem_alloc : memref<!tpu.dma_semaphore, #tpu.memory_space<semaphore_mem>>
        %dma_start3A = arith.constant 0 : i32
        %dma_start3A_107 = tpu.memref_slice %arg11[%add3A_81, %dma_start3A] : memref<10240x128xf32, #tpu.memory_space<vmem_shared>> -> memref<40x128xf32, #tpu.memory_space<vmem_shared>>
        %dma_start3A_108 = arith.constant 0 : i32
        %dma_start3A_109 = tpu.memref_slice %arg11[%add3A_81, %dma_start3A_108] : memref<10240x128xf32, #tpu.memory_space<vmem_shared>> -> memref<40x128xf32, #tpu.memory_space<vmem_shared>>
        tpu.enqueue_dma source(%run_scoped3A_8 : memref<40x128xf32, #tpu.memory_space<vmem>>) target(%dma_start3A_109 : memref<40x128xf32, #tpu.memory_space<vmem_shared>>) target_semaphore(%run_scoped3A_106 : memref<!tpu.dma_semaphore, #tpu.memory_space<semaphore_mem>>)
        %dma_wait3A = arith.constant 0 : i32
        %dma_wait3A_110 = tpu.memref_slice %arg11[%add3A_81, %dma_wait3A] : memref<10240x128xf32, #tpu.memory_space<vmem_shared>> -> memref<40x128xf32, #tpu.memory_space<vmem_shared>>
        %dma_wait3A_111 = arith.constant 0 : i32
        %dma_wait3A_112 = tpu.memref_slice %arg11[%add3A_81, %dma_wait3A_111] : memref<10240x128xf32, #tpu.memory_space<vmem_shared>> -> memref<40x128xf32, #tpu.memory_space<vmem_shared>>
        tpu.wait_dma2 semaphore(%run_scoped3A_106 : memref<!tpu.dma_semaphore, #tpu.memory_space<semaphore_mem>>) src(%run_scoped3A_8 : memref<40x128xf32, #tpu.memory_space<vmem>>) dst(%dma_wait3A_112 : memref<40x128xf32, #tpu.memory_space<vmem_shared>>)
        tpu.yield
      }) : () -> ()
      %mul3A_82 = arith.constant 40 : i32
      %mul3A_83 = arith.muli %arg1, %mul3A_82 : i32
      "tpu.region"() ({
        %run_scoped3A_106 = tpu.sem_alloc : memref<!tpu.dma_semaphore, #tpu.memory_space<semaphore_mem>>
        %dma_start3A = arith.constant 0 : i32
        %dma_start3A_107 = tpu.memref_slice %arg12[%mul3A_83, %dma_start3A] : memref<640x128xf32, #tpu.memory_space<vmem_shared>> -> memref<40x128xf32, #tpu.memory_space<vmem_shared>>
        %dma_start3A_108 = arith.constant 0 : i32
        %dma_start3A_109 = tpu.memref_slice %arg12[%mul3A_83, %dma_start3A_108] : memref<640x128xf32, #tpu.memory_space<vmem_shared>> -> memref<40x128xf32, #tpu.memory_space<vmem_shared>>
        tpu.enqueue_dma source(%run_scoped3A_8 : memref<40x128xf32, #tpu.memory_space<vmem>>) target(%dma_start3A_109 : memref<40x128xf32, #tpu.memory_space<vmem_shared>>) target_semaphore(%run_scoped3A_106 : memref<!tpu.dma_semaphore, #tpu.memory_space<semaphore_mem>>)
        %dma_wait3A = arith.constant 0 : i32
        %dma_wait3A_110 = tpu.memref_slice %arg12[%mul3A_83, %dma_wait3A] : memref<640x128xf32, #tpu.memory_space<vmem_shared>> -> memref<40x128xf32, #tpu.memory_space<vmem_shared>>
        %dma_wait3A_111 = arith.constant 0 : i32
        %dma_wait3A_112 = tpu.memref_slice %arg12[%mul3A_83, %dma_wait3A_111] : memref<640x128xf32, #tpu.memory_space<vmem_shared>> -> memref<40x128xf32, #tpu.memory_space<vmem_shared>>
        tpu.wait_dma2 semaphore(%run_scoped3A_106 : memref<!tpu.dma_semaphore, #tpu.memory_space<semaphore_mem>>) src(%run_scoped3A_8 : memref<40x128xf32, #tpu.memory_space<vmem>>) dst(%dma_wait3A_112 : memref<40x128xf32, #tpu.memory_space<vmem_shared>>)
        tpu.yield
      }) : () -> ()
      %barrier3A = arith.constant 0 : index
      tpu.barrier barrier_id(%barrier3A)
      %scan3A_84 = arith.constant 0 : i32
      %scan3A_85 = arith.constant 0 : i32
      %scan3A_86 = arith.constant 250 : i32
      %scan3A_87 = arith.addi %scan3A_85, %scan3A_86 : i32
      %scan3A_88 = arith.constant 1 : i32
      %scan3A_89 = scf.for %scan3A_106 = %scan3A_85 to %scan3A_87 step %scan3A_88 iter_args(%scan3A_107 = %scan3A_84) -> (i32)  : i32 {
        %mul3A_108 = arith.constant 10000 : i32
        %mul3A_109 = arith.muli %add3A, %mul3A_108 : i32
        %mul3A_110 = arith.constant 40 : i32
        %mul3A_111 = arith.muli %scan3A_106, %mul3A_110 : i32
        %add3A_112 = arith.addi %mul3A_109, %mul3A_111 : i32
        %dma_start3A = tpu.memref_slice %arg2[%add3A_112] : memref<320000xi32, #tpu.memory_space<hbm>> -> memref<40xi32, #tpu.memory_space<hbm>>
        %dma_start3A_113 = tpu.memref_slice %arg2[%add3A_112] : memref<320000xi32, #tpu.memory_space<hbm>> -> memref<40xi32, #tpu.memory_space<hbm>>
        tpu.enqueue_dma source(%dma_start3A_113 : memref<40xi32, #tpu.memory_space<hbm>>) target(%run_scoped3A : memref<40xi32, #tpu.memory_space<vmem>>) target_semaphore(%arg16 : memref<!tpu.dma_semaphore, #tpu.memory_space<semaphore_mem>>)
        %dma_start3A_114 = tpu.memref_slice %arg3[%add3A_112] : memref<320000xi32, #tpu.memory_space<hbm>> -> memref<40xi32, #tpu.memory_space<hbm>>
        %dma_start3A_115 = tpu.memref_slice %arg3[%add3A_112] : memref<320000xi32, #tpu.memory_space<hbm>> -> memref<40xi32, #tpu.memory_space<hbm>>
        tpu.enqueue_dma source(%dma_start3A_115 : memref<40xi32, #tpu.memory_space<hbm>>) target(%run_scoped3A_0 : memref<40xi32, #tpu.memory_space<vmem>>) target_semaphore(%arg16 : memref<!tpu.dma_semaphore, #tpu.memory_space<semaphore_mem>>)
        %dma_start3A_116 = arith.constant 0 : i32
        %dma_start3A_117 = tpu.memref_slice %run_scoped3A_1[%dma_start3A_116] : memref<56xi32, #tpu.memory_space<vmem>> -> memref<40xi32, #tpu.memory_space<vmem>>
        %dma_start3A_118 = tpu.memref_slice %arg3[%add3A_112] : memref<320000xi32, #tpu.memory_space<hbm>> -> memref<40xi32, #tpu.memory_space<hbm>>
        %dma_start3A_119 = arith.constant 0 : i32
        %dma_start3A_120 = tpu.memref_slice %run_scoped3A_1[%dma_start3A_119] : memref<56xi32, #tpu.memory_space<vmem>> -> memref<40xi32, #tpu.memory_space<vmem>>
        %dma_start3A_121 = tpu.memref_slice %arg3[%add3A_112] : memref<320000xi32, #tpu.memory_space<hbm>> -> memref<40xi32, #tpu.memory_space<hbm>>
        tpu.enqueue_dma source(%dma_start3A_121 : memref<40xi32, #tpu.memory_space<hbm>>) target(%dma_start3A_120 : memref<40xi32, #tpu.memory_space<vmem>>) target_semaphore(%arg16 : memref<!tpu.dma_semaphore, #tpu.memory_space<semaphore_mem>>)
        %dma_wait3A = tpu.memref_slice %arg2[%add3A_112] : memref<320000xi32, #tpu.memory_space<hbm>> -> memref<40xi32, #tpu.memory_space<hbm>>
        %dma_wait3A_122 = tpu.memref_slice %arg2[%add3A_112] : memref<320000xi32, #tpu.memory_space<hbm>> -> memref<40xi32, #tpu.memory_space<hbm>>
        tpu.wait_dma2 semaphore(%arg16 : memref<!tpu.dma_semaphore, #tpu.memory_space<semaphore_mem>>) src(%dma_wait3A_122 : memref<40xi32, #tpu.memory_space<hbm>>) dst(%run_scoped3A : memref<40xi32, #tpu.memory_space<vmem>>)
        %dma_wait3A_123 = tpu.memref_slice %arg3[%add3A_112] : memref<320000xi32, #tpu.memory_space<hbm>> -> memref<40xi32, #tpu.memory_space<hbm>>
        %dma_wait3A_124 = tpu.memref_slice %arg3[%add3A_112] : memref<320000xi32, #tpu.memory_space<hbm>> -> memref<40xi32, #tpu.memory_space<hbm>>
        tpu.wait_dma2 semaphore(%arg16 : memref<!tpu.dma_semaphore, #tpu.memory_space<semaphore_mem>>) src(%dma_wait3A_124 : memref<40xi32, #tpu.memory_space<hbm>>) dst(%run_scoped3A_0 : memref<40xi32, #tpu.memory_space<vmem>>)
        %dma_wait3A_125 = arith.constant 0 : i32
        %dma_wait3A_126 = tpu.memref_slice %run_scoped3A_1[%dma_wait3A_125] : memref<56xi32, #tpu.memory_space<vmem>> -> memref<40xi32, #tpu.memory_space<vmem>>
        %dma_wait3A_127 = tpu.memref_slice %arg3[%add3A_112] : memref<320000xi32, #tpu.memory_space<hbm>> -> memref<40xi32, #tpu.memory_space<hbm>>
        %dma_wait3A_128 = arith.constant 0 : i32
        %dma_wait3A_129 = tpu.memref_slice %run_scoped3A_1[%dma_wait3A_128] : memref<56xi32, #tpu.memory_space<vmem>> -> memref<40xi32, #tpu.memory_space<vmem>>
        %dma_wait3A_130 = tpu.memref_slice %arg3[%add3A_112] : memref<320000xi32, #tpu.memory_space<hbm>> -> memref<40xi32, #tpu.memory_space<hbm>>
        tpu.wait_dma2 semaphore(%arg16 : memref<!tpu.dma_semaphore, #tpu.memory_space<semaphore_mem>>) src(%dma_wait3A_130 : memref<40xi32, #tpu.memory_space<hbm>>) dst(%dma_wait3A_129 : memref<40xi32, #tpu.memory_space<vmem>>)
        %dma_start3A_131 = arith.constant 0 : i32
        %dma_start3A_132 = arith.constant 0 : i32
        %dma_start3A_133 = tpu.memref_slice %arg4[%dma_start3A_131, %dma_start3A_132] : memref<10000x128xf32, #tpu.memory_space<hbm>> -> memref<10000x128xf32, #tpu.memory_space<hbm>>
        tpu.enqueue_indirect_dma source(%dma_start3A_133 : memref<10000x128xf32, #tpu.memory_space<hbm>>) target(%run_scoped3A_3 : memref<40x128xf32, #tpu.memory_space<vmem>>) offsets(%run_scoped3A : memref<40xi32, #tpu.memory_space<vmem>>) semaphore(%arg13 : memref<!tpu.dma_semaphore, #tpu.memory_space<semaphore_mem>>)
        %dma_start3A_134 = arith.constant 0 : i32
        %dma_start3A_135 = arith.constant 0 : i32
        %dma_start3A_136 = tpu.memref_slice %arg5[%dma_start3A_134, %dma_start3A_135] : memref<10000x128xf32, #tpu.memory_space<hbm>> -> memref<10000x128xf32, #tpu.memory_space<hbm>>
        tpu.enqueue_indirect_dma source(%dma_start3A_136 : memref<10000x128xf32, #tpu.memory_space<hbm>>) target(%run_scoped3A_4 : memref<40x128xf32, #tpu.memory_space<vmem>>) offsets(%run_scoped3A_0 : memref<40xi32, #tpu.memory_space<vmem>>) semaphore(%arg14 : memref<!tpu.dma_semaphore, #tpu.memory_space<semaphore_mem>>)
        %dma_start3A_137 = arith.constant 0 : i32
        %dma_start3A_138 = arith.constant 0 : i32
        %dma_start3A_139 = tpu.memref_slice %arg6[%dma_start3A_137, %dma_start3A_138] : memref<10000x128xf32, #tpu.memory_space<hbm>> -> memref<10000x128xf32, #tpu.memory_space<hbm>>
        tpu.enqueue_indirect_dma source(%dma_start3A_139 : memref<10000x128xf32, #tpu.memory_space<hbm>>) target(%run_scoped3A_5 : memref<40x128xf32, #tpu.memory_space<vmem>>) offsets(%run_scoped3A : memref<40xi32, #tpu.memory_space<vmem>>) semaphore(%arg15 : memref<!tpu.dma_semaphore, #tpu.memory_space<semaphore_mem>>)
        %dma_start3A_140 = arith.constant 0 : i32
        %dma_start3A_141 = tpu.memref_slice %arg7[%add3A_112, %dma_start3A_140] : memref<320000x128xf32, #tpu.memory_space<hbm>> -> memref<40x128xf32, #tpu.memory_space<hbm>>
        %dma_start3A_142 = arith.constant 0 : i32
        %dma_start3A_143 = tpu.memref_slice %arg7[%add3A_112, %dma_start3A_142] : memref<320000x128xf32, #tpu.memory_space<hbm>> -> memref<40x128xf32, #tpu.memory_space<hbm>>
        tpu.enqueue_dma source(%dma_start3A_143 : memref<40x128xf32, #tpu.memory_space<hbm>>) target(%run_scoped3A_6 : memref<40x128xf32, #tpu.memory_space<vmem>>) target_semaphore(%arg16 : memref<!tpu.dma_semaphore, #tpu.memory_space<semaphore_mem>>)
        %dma_wait3A_144 = arith.constant 0 : i32
        %dma_wait3A_145 = arith.constant 0 : i32
        %dma_wait3A_146 = tpu.memref_slice %arg4[%dma_wait3A_144, %dma_wait3A_145] : memref<10000x128xf32, #tpu.memory_space<hbm>> -> memref<10000x128xf32, #tpu.memory_space<hbm>>
        tpu.wait_indirect_dma semaphore(%arg13 : memref<!tpu.dma_semaphore, #tpu.memory_space<semaphore_mem>>) src(%dma_wait3A_146 : memref<10000x128xf32, #tpu.memory_space<hbm>>) dst(%run_scoped3A_3 : memref<40x128xf32, #tpu.memory_space<vmem>>)
        %dma_wait3A_147 = arith.constant 0 : i32
        %dma_wait3A_148 = arith.constant 0 : i32
        %dma_wait3A_149 = tpu.memref_slice %arg5[%dma_wait3A_147, %dma_wait3A_148] : memref<10000x128xf32, #tpu.memory_space<hbm>> -> memref<10000x128xf32, #tpu.memory_space<hbm>>
        tpu.wait_indirect_dma semaphore(%arg14 : memref<!tpu.dma_semaphore, #tpu.memory_space<semaphore_mem>>) src(%dma_wait3A_149 : memref<10000x128xf32, #tpu.memory_space<hbm>>) dst(%run_scoped3A_4 : memref<40x128xf32, #tpu.memory_space<vmem>>)
        %dma_wait3A_150 = arith.constant 0 : i32
        %dma_wait3A_151 = arith.constant 0 : i32
        %dma_wait3A_152 = tpu.memref_slice %arg6[%dma_wait3A_150, %dma_wait3A_151] : memref<10000x128xf32, #tpu.memory_space<hbm>> -> memref<10000x128xf32, #tpu.memory_space<hbm>>
        tpu.wait_indirect_dma semaphore(%arg15 : memref<!tpu.dma_semaphore, #tpu.memory_space<semaphore_mem>>) src(%dma_wait3A_152 : memref<10000x128xf32, #tpu.memory_space<hbm>>) dst(%run_scoped3A_5 : memref<40x128xf32, #tpu.memory_space<vmem>>)
        %dma_wait3A_153 = arith.constant 0 : i32
        %dma_wait3A_154 = tpu.memref_slice %arg7[%add3A_112, %dma_wait3A_153] : memref<320000x128xf32, #tpu.memory_space<hbm>> -> memref<40x128xf32, #tpu.memory_space<hbm>>
        %dma_wait3A_155 = arith.constant 0 : i32
        %dma_wait3A_156 = tpu.memref_slice %arg7[%add3A_112, %dma_wait3A_155] : memref<320000x128xf32, #tpu.memory_space<hbm>> -> memref<40x128xf32, #tpu.memory_space<hbm>>
        tpu.wait_dma2 semaphore(%arg16 : memref<!tpu.dma_semaphore, #tpu.memory_space<semaphore_mem>>) src(%dma_wait3A_156 : memref<40x128xf32, #tpu.memory_space<hbm>>) dst(%run_scoped3A_6 : memref<40x128xf32, #tpu.memory_space<vmem>>)
        %add3A_157 = arith.constant 0 : i32
        %add3A_158 = vector.broadcast %add3A_157 : i32 to vector<16xi32>
        %add3A_159 = arith.addi %iota3A, %add3A_158 : vector<16xi32>
        %get3A = arith.constant 0 : index
        %get3A_160 = tpu.vector_load %run_scoped3A_1[%get3A] {strides = array<i32>} : memref<56xi32, #tpu.memory_space<vmem>>, vector<16xi32>,
        %shift_right_arithmetic3A = arith.constant 4 : i32
        %shift_right_arithmetic3A_161 = vector.broadcast %shift_right_arithmetic3A : i32 to vector<16xi32>
        %shift_right_arithmetic3A_162 = arith.shrsi %get3A_160, %shift_right_arithmetic3A_161 : vector<16xi32>
        %lt3A = arith.constant 40 : i32
        %lt3A_163 = vector.broadcast %lt3A : i32 to vector<16xi32>
        %lt3A_164 = arith.cmpi slt, %add3A_159, %lt3A_163 : vector<16xi32>
        tpu.vector_store_idx %run_scoped3A_2[%add3A_159], %shift_right_arithmetic3A_162 masked %lt3A_164 : memref<40xi32, #tpu.memory_space<vmem>>[vector<16xi32>], vector<16xi32>, vector<16xi1>
        %add3A_165 = arith.constant 16 : i32
        %add3A_166 = vector.broadcast %add3A_165 : i32 to vector<16xi32>
        %add3A_167 = arith.addi %iota3A, %add3A_166 : vector<16xi32>
        %get3A_168 = arith.constant 16 : index
        %get3A_169 = tpu.vector_load %run_scoped3A_1[%get3A_168] {strides = array<i32>} : memref<56xi32, #tpu.memory_space<vmem>>, vector<16xi32>,
        %shift_right_arithmetic3A_170 = arith.constant 4 : i32
        %shift_right_arithmetic3A_171 = vector.broadcast %shift_right_arithmetic3A_170 : i32 to vector<16xi32>
        %shift_right_arithmetic3A_172 = arith.shrsi %get3A_169, %shift_right_arithmetic3A_171 : vector<16xi32>
        %lt3A_173 = arith.constant 40 : i32
        %lt3A_174 = vector.broadcast %lt3A_173 : i32 to vector<16xi32>
        %lt3A_175 = arith.cmpi slt, %add3A_167, %lt3A_174 : vector<16xi32>
        tpu.vector_store_idx %run_scoped3A_2[%add3A_167], %shift_right_arithmetic3A_172 masked %lt3A_175 : memref<40xi32, #tpu.memory_space<vmem>>[vector<16xi32>], vector<16xi32>, vector<16xi1>
        %add3A_176 = arith.constant 32 : i32
        %add3A_177 = vector.broadcast %add3A_176 : i32 to vector<16xi32>
        %add3A_178 = arith.addi %iota3A, %add3A_177 : vector<16xi32>
        %get3A_179 = arith.constant 32 : index
        %get3A_180 = tpu.vector_load %run_scoped3A_1[%get3A_179] {strides = array<i32>} : memref<56xi32, #tpu.memory_space<vmem>>, vector<16xi32>,
        %shift_right_arithmetic3A_181 = arith.constant 4 : i32
        %shift_right_arithmetic3A_182 = vector.broadcast %shift_right_arithmetic3A_181 : i32 to vector<16xi32>
        %shift_right_arithmetic3A_183 = arith.shrsi %get3A_180, %shift_right_arithmetic3A_182 : vector<16xi32>
        %lt3A_184 = arith.constant 40 : i32
        %lt3A_185 = vector.broadcast %lt3A_184 : i32 to vector<16xi32>
        %lt3A_186 = arith.cmpi slt, %add3A_178, %lt3A_185 : vector<16xi32>
        tpu.vector_store_idx %run_scoped3A_2[%add3A_178], %shift_right_arithmetic3A_183 masked %lt3A_186 : memref<40xi32, #tpu.memory_space<vmem>>[vector<16xi32>], vector<16xi32>, vector<16xi1>
        %scan3A_187 = arith.constant 0 : i32
        %scan3A_188 = arith.constant 0 : i32
        %scan3A_189 = arith.constant 40 : i32
        %scan3A_190 = arith.addi %scan3A_188, %scan3A_189 : i32
        %scan3A_191 = arith.constant 1 : i32
        %scan3A_192 = scf.for %scan3A_195 = %scan3A_188 to %scan3A_190 step %scan3A_191 iter_args(%scan3A_196 = %scan3A_187) -> (i32)  : i32 {
          %get3A_197 = arith.index_cast %scan3A_195 : i32 to index
          %get3A_198 = tpu.vector_load %run_scoped3A_1[%get3A_197] {strides = array<i32>} : memref<56xi32, #tpu.memory_space<vmem>>, vector<16xi32>,
          %slice3A = vector.extract_strided_slice %get3A_198 {offsets = [0], sizes = [1], strides = [1]} : vector<16xi32> to vector<1xi32>
          %squeeze3A = vector.extract %slice3A[0] : i32 from vector<1xi32>
          %and3A = arith.constant 15 : i32
          %and3A_199 = arith.andi %squeeze3A, %and3A : i32
          %shift_right_arithmetic3A_200 = arith.constant 1 : i32
          %shift_right_arithmetic3A_201 = arith.shrsi %and3A_199, %shift_right_arithmetic3A_200 : i32
          %and3A_202 = arith.constant 1 : i32
          %and3A_203 = arith.andi %squeeze3A, %and3A_202 : i32
          %get3A_204 = arith.index_cast %scan3A_195 : i32 to index
          %get3A_205 = arith.constant 0 : index
          %get3A_206 = tpu.vector_load %run_scoped3A_3[%get3A_204, %get3A_205] {strides = array<i32>} : memref<40x128xf32, #tpu.memory_space<vmem>>, vector<16xf32>,
          %get3A_207 = arith.index_cast %scan3A_195 : i32 to index
          %get3A_208 = arith.constant 0 : index
          %get3A_209 = tpu.vector_load %run_scoped3A_4[%get3A_207, %get3A_208] {strides = array<i32>} : memref<40x128xf32, #tpu.memory_space<vmem>>, vector<16xf32>,
          %mul3A_210 = arith.mulf %get3A_206, %get3A_209 : vector<16xf32>
          %get3A_211 = arith.index_cast %scan3A_195 : i32 to index
          %get3A_212 = arith.constant 0 : index
          %get3A_213 = tpu.vector_load %run_scoped3A_6[%get3A_211, %get3A_212] {strides = array<i32>} : memref<40x128xf32, #tpu.memory_space<vmem>>, vector<16xf32>,
          %mul3A_214 = arith.mulf %mul3A_210, %get3A_213 : vector<16xf32>
          %swap3A = arith.index_cast %scan3A_195 : i32 to index
          %swap3A_215 = arith.constant 0 : index
          %swap3A_216 = tpu.vector_load %run_scoped3A_7[%swap3A, %swap3A_215] {strides = array<i32>} : memref<40x128xf32, #tpu.memory_space<vmem>>, vector<16xf32>,
          tpu.vector_store %run_scoped3A_7[%swap3A, %swap3A_215], %mul3A_214 {strides = array<i32>} : memref<40x128xf32, #tpu.memory_space<vmem>>, vector<16xf32>,
          %broadcast_in_dim3A_217 = arith.constant true
          %broadcast_in_dim3A_218 = vector.broadcast %broadcast_in_dim3A_217 : i1 to vector<16xi1>
          %masked_cumsum3A = tpu.scan <sum>, %mul3A_214 masked %broadcast_in_dim3A_218 : vector<16xf32>, vector<16xi1> -> vector<16xf32>
          %slice3A_219 = vector.extract_strided_slice %masked_cumsum3A {offsets = [15], sizes = [1], strides = [1]} : vector<16xf32> to vector<1xf32>
          %squeeze3A_220 = vector.extract %slice3A_219[0] : f32 from vector<1xf32>
          %mul3A_221 = arith.constant 2.500000e-01 : f32
          %mul3A_222 = arith.mulf %squeeze3A_220, %mul3A_221 : f32
          %jit3A = arith.constant -5.000000e+00 : f32
          %jit3A_223 = arith.constant 5.000000e+00 : f32
          %max3A = arith.maximumf %jit3A, %mul3A_222 : f32
          %min3A = arith.minimumf %jit3A_223, %max3A : f32
          %broadcast_in_dim3A_224 = vector.broadcast %min3A : f32 to vector<16xf32>
          %exp3A = math.exp %broadcast_in_dim3A_224 : vector<16xf32>
          %get3A_225 = arith.index_cast %scan3A_195 : i32 to index
          %get3A_226 = arith.constant 0 : index
          %get3A_227 = tpu.vector_load %run_scoped3A_5[%get3A_225, %get3A_226] {strides = array<i32>} : memref<40x128xf32, #tpu.memory_space<vmem>>, vector<16xf32>,
          %add3A_228 = arith.addf %get3A_227, %mul3A_214 : vector<16xf32>
          %mul3A_229 = arith.mulf %add3A_228, %exp3A : vector<16xf32>
          %swap3A_230 = arith.index_cast %scan3A_195 : i32 to index
          %swap3A_231 = arith.constant 0 : index
          %swap3A_232 = tpu.vector_load %run_scoped3A_8[%swap3A_230, %swap3A_231] {strides = array<i32>} : memref<40x128xf32, #tpu.memory_space<vmem>>, vector<16xf32>,
          tpu.vector_store %run_scoped3A_8[%swap3A_230, %swap3A_231], %mul3A_229 {strides = array<i32>} : memref<40x128xf32, #tpu.memory_space<vmem>>, vector<16xf32>,
          %eq3A = arith.constant 0 : i32
          %eq3A_233 = vector.broadcast %eq3A : i32 to vector<16xi32>
          %eq3A_234 = arith.cmpi eq, %iota3A, %eq3A_233 : vector<16xi32>
          %select_n3A = arith.select %eq3A_234, %exp3A, %broadcast_in_dim3A_11 : vector<16xi1>, vector<16xf32>
          %eq3A_235 = arith.constant 8 : i32
          %eq3A_236 = vector.broadcast %eq3A_235 : i32 to vector<16xi32>
          %eq3A_237 = arith.cmpi eq, %iota3A, %eq3A_236 : vector<16xi32>
          %select_n3A_238 = arith.select %eq3A_237, %exp3A, %broadcast_in_dim3A_11 : vector<16xi1>, vector<16xf32>
          %get3A_239 = arith.index_cast %scan3A_195 : i32 to index
          %get3A_240 = arith.constant 16 : index
          %get3A_241 = tpu.vector_load %run_scoped3A_3[%get3A_239, %get3A_240] {strides = array<i32>} : memref<40x128xf32, #tpu.memory_space<vmem>>, vector<16xf32>,
          %get3A_242 = arith.index_cast %scan3A_195 : i32 to index
          %get3A_243 = arith.constant 16 : index
          %get3A_244 = tpu.vector_load %run_scoped3A_4[%get3A_242, %get3A_243] {strides = array<i32>} : memref<40x128xf32, #tpu.memory_space<vmem>>, vector<16xf32>,
          %mul3A_245 = arith.mulf %get3A_241, %get3A_244 : vector<16xf32>
          %get3A_246 = arith.index_cast %scan3A_195 : i32 to index
          %get3A_247 = arith.constant 16 : index
          %get3A_248 = tpu.vector_load %run_scoped3A_6[%get3A_246, %get3A_247] {strides = array<i32>} : memref<40x128xf32, #tpu.memory_space<vmem>>, vector<16xf32>,
          %mul3A_249 = arith.mulf %mul3A_245, %get3A_248 : vector<16xf32>
          %swap3A_250 = arith.index_cast %scan3A_195 : i32 to index
          %swap3A_251 = arith.constant 16 : index
          %swap3A_252 = tpu.vector_load %run_scoped3A_7[%swap3A_250, %swap3A_251] {strides = array<i32>} : memref<40x128xf32, #tpu.memory_space<vmem>>, vector<16xf32>,
          tpu.vector_store %run_scoped3A_7[%swap3A_250, %swap3A_251], %mul3A_249 {strides = array<i32>} : memref<40x128xf32, #tpu.memory_space<vmem>>, vector<16xf32>,
          %broadcast_in_dim3A_253 = arith.constant true
          %broadcast_in_dim3A_254 = vector.broadcast %broadcast_in_dim3A_253 : i1 to vector<16xi1>
          %masked_cumsum3A_255 = tpu.scan <sum>, %mul3A_249 masked %broadcast_in_dim3A_254 : vector<16xf32>, vector<16xi1> -> vector<16xf32>
          %slice3A_256 = vector.extract_strided_slice %masked_cumsum3A_255 {offsets = [15], sizes = [1], strides = [1]} : vector<16xf32> to vector<1xf32>
          %squeeze3A_257 = vector.extract %slice3A_256[0] : f32 from vector<1xf32>
          %mul3A_258 = arith.constant 2.500000e-01 : f32
          %mul3A_259 = arith.mulf %squeeze3A_257, %mul3A_258 : f32
          %jit3A_260 = arith.constant -5.000000e+00 : f32
          %jit3A_261 = arith.constant 5.000000e+00 : f32
          %max3A_262 = arith.maximumf %jit3A_260, %mul3A_259 : f32
          %min3A_263 = arith.minimumf %jit3A_261, %max3A_262 : f32
          %broadcast_in_dim3A_264 = vector.broadcast %min3A_263 : f32 to vector<16xf32>
          %exp3A_265 = math.exp %broadcast_in_dim3A_264 : vector<16xf32>
          %get3A_266 = arith.index_cast %scan3A_195 : i32 to index
          %get3A_267 = arith.constant 16 : index
          %get3A_268 = tpu.vector_load %run_scoped3A_5[%get3A_266, %get3A_267] {strides = array<i32>} : memref<40x128xf32, #tpu.memory_space<vmem>>, vector<16xf32>,
          %add3A_269 = arith.addf %get3A_268, %mul3A_249 : vector<16xf32>
          %mul3A_270 = arith.mulf %add3A_269, %exp3A_265 : vector<16xf32>
          %swap3A_271 = arith.index_cast %scan3A_195 : i32 to index
          %swap3A_272 = arith.constant 16 : index
          %swap3A_273 = tpu.vector_load %run_scoped3A_8[%swap3A_271, %swap3A_272] {strides = array<i32>} : memref<40x128xf32, #tpu.memory_space<vmem>>, vector<16xf32>,
          tpu.vector_store %run_scoped3A_8[%swap3A_271, %swap3A_272], %mul3A_270 {strides = array<i32>} : memref<40x128xf32, #tpu.memory_space<vmem>>, vector<16xf32>,
          %eq3A_274 = arith.constant 1 : i32
          %eq3A_275 = vector.broadcast %eq3A_274 : i32 to vector<16xi32>
          %eq3A_276 = arith.cmpi eq, %iota3A, %eq3A_275 : vector<16xi32>
          %select_n3A_277 = arith.select %eq3A_276, %exp3A_265, %select_n3A : vector<16xi1>, vector<16xf32>
          %eq3A_278 = arith.constant 9 : i32
          %eq3A_279 = vector.broadcast %eq3A_278 : i32 to vector<16xi32>
          %eq3A_280 = arith.cmpi eq, %iota3A, %eq3A_279 : vector<16xi32>
          %select_n3A_281 = arith.select %eq3A_280, %exp3A_265, %select_n3A_238 : vector<16xi1>, vector<16xf32>
          %get3A_282 = arith.index_cast %scan3A_195 : i32 to index
          %get3A_283 = arith.constant 32 : index
          %get3A_284 = tpu.vector_load %run_scoped3A_3[%get3A_282, %get3A_283] {strides = array<i32>} : memref<40x128xf32, #tpu.memory_space<vmem>>, vector<16xf32>,
          %get3A_285 = arith.index_cast %scan3A_195 : i32 to index
          %get3A_286 = arith.constant 32 : index
          %get3A_287 = tpu.vector_load %run_scoped3A_4[%get3A_285, %get3A_286] {strides = array<i32>} : memref<40x128xf32, #tpu.memory_space<vmem>>, vector<16xf32>,
          %mul3A_288 = arith.mulf %get3A_284, %get3A_287 : vector<16xf32>
          %get3A_289 = arith.index_cast %scan3A_195 : i32 to index
          %get3A_290 = arith.constant 32 : index
          %get3A_291 = tpu.vector_load %run_scoped3A_6[%get3A_289, %get3A_290] {strides = array<i32>} : memref<40x128xf32, #tpu.memory_space<vmem>>, vector<16xf32>,
          %mul3A_292 = arith.mulf %mul3A_288, %get3A_291 : vector<16xf32>
          %swap3A_293 = arith.index_cast %scan3A_195 : i32 to index
          %swap3A_294 = arith.constant 32 : index
          %swap3A_295 = tpu.vector_load %run_scoped3A_7[%swap3A_293, %swap3A_294] {strides = array<i32>} : memref<40x128xf32, #tpu.memory_space<vmem>>, vector<16xf32>,
          tpu.vector_store %run_scoped3A_7[%swap3A_293, %swap3A_294], %mul3A_292 {strides = array<i32>} : memref<40x128xf32, #tpu.memory_space<vmem>>, vector<16xf32>,
          %broadcast_in_dim3A_296 = arith.constant true
          %broadcast_in_dim3A_297 = vector.broadcast %broadcast_in_dim3A_296 : i1 to vector<16xi1>
          %masked_cumsum3A_298 = tpu.scan <sum>, %mul3A_292 masked %broadcast_in_dim3A_297 : vector<16xf32>, vector<16xi1> -> vector<16xf32>
          %slice3A_299 = vector.extract_strided_slice %masked_cumsum3A_298 {offsets = [15], sizes = [1], strides = [1]} : vector<16xf32> to vector<1xf32>
          %squeeze3A_300 = vector.extract %slice3A_299[0] : f32 from vector<1xf32>
          %mul3A_301 = arith.constant 2.500000e-01 : f32
          %mul3A_302 = arith.mulf %squeeze3A_300, %mul3A_301 : f32
          %jit3A_303 = arith.constant -5.000000e+00 : f32
          %jit3A_304 = arith.constant 5.000000e+00 : f32
          %max3A_305 = arith.maximumf %jit3A_303, %mul3A_302 : f32
          %min3A_306 = arith.minimumf %jit3A_304, %max3A_305 : f32
          %broadcast_in_dim3A_307 = vector.broadcast %min3A_306 : f32 to vector<16xf32>
          %exp3A_308 = math.exp %broadcast_in_dim3A_307 : vector<16xf32>
          %get3A_309 = arith.index_cast %scan3A_195 : i32 to index
          %get3A_310 = arith.constant 32 : index
          %get3A_311 = tpu.vector_load %run_scoped3A_5[%get3A_309, %get3A_310] {strides = array<i32>} : memref<40x128xf32, #tpu.memory_space<vmem>>, vector<16xf32>,
          %add3A_312 = arith.addf %get3A_311, %mul3A_292 : vector<16xf32>
          %mul3A_313 = arith.mulf %add3A_312, %exp3A_308 : vector<16xf32>
          %swap3A_314 = arith.index_cast %scan3A_195 : i32 to index
          %swap3A_315 = arith.constant 32 : index
          %swap3A_316 = tpu.vector_load %run_scoped3A_8[%swap3A_314, %swap3A_315] {strides = array<i32>} : memref<40x128xf32, #tpu.memory_space<vmem>>, vector<16xf32>,
          tpu.vector_store %run_scoped3A_8[%swap3A_314, %swap3A_315], %mul3A_313 {strides = array<i32>} : memref<40x128xf32, #tpu.memory_space<vmem>>, vector<16xf32>,
          %eq3A_317 = arith.constant 2 : i32
          %eq3A_318 = vector.broadcast %eq3A_317 : i32 to vector<16xi32>
          %eq3A_319 = arith.cmpi eq, %iota3A, %eq3A_318 : vector<16xi32>
          %select_n3A_320 = arith.select %eq3A_319, %exp3A_308, %select_n3A_277 : vector<16xi1>, vector<16xf32>
          %eq3A_321 = arith.constant 10 : i32
          %eq3A_322 = vector.broadcast %eq3A_321 : i32 to vector<16xi32>
          %eq3A_323 = arith.cmpi eq, %iota3A, %eq3A_322 : vector<16xi32>
          %select_n3A_324 = arith.select %eq3A_323, %exp3A_308, %select_n3A_281 : vector<16xi1>, vector<16xf32>
          %get3A_325 = arith.index_cast %scan3A_195 : i32 to index
          %get3A_326 = arith.constant 48 : index
          %get3A_327 = tpu.vector_load %run_scoped3A_3[%get3A_325, %get3A_326] {strides = array<i32>} : memref<40x128xf32, #tpu.memory_space<vmem>>, vector<16xf32>,
          %get3A_328 = arith.index_cast %scan3A_195 : i32 to index
          %get3A_329 = arith.constant 48 : index
          %get3A_330 = tpu.vector_load %run_scoped3A_4[%get3A_328, %get3A_329] {strides = array<i32>} : memref<40x128xf32, #tpu.memory_space<vmem>>, vector<16xf32>,
          %mul3A_331 = arith.mulf %get3A_327, %get3A_330 : vector<16xf32>
          %get3A_332 = arith.index_cast %scan3A_195 : i32 to index
          %get3A_333 = arith.constant 48 : index
          %get3A_334 = tpu.vector_load %run_scoped3A_6[%get3A_332, %get3A_333] {strides = array<i32>} : memref<40x128xf32, #tpu.memory_space<vmem>>, vector<16xf32>,
          %mul3A_335 = arith.mulf %mul3A_331, %get3A_334 : vector<16xf32>
          %swap3A_336 = arith.index_cast %scan3A_195 : i32 to index
          %swap3A_337 = arith.constant 48 : index
          %swap3A_338 = tpu.vector_load %run_scoped3A_7[%swap3A_336, %swap3A_337] {strides = array<i32>} : memref<40x128xf32, #tpu.memory_space<vmem>>, vector<16xf32>,
          tpu.vector_store %run_scoped3A_7[%swap3A_336, %swap3A_337], %mul3A_335 {strides = array<i32>} : memref<40x128xf32, #tpu.memory_space<vmem>>, vector<16xf32>,
          %broadcast_in_dim3A_339 = arith.constant true
          %broadcast_in_dim3A_340 = vector.broadcast %broadcast_in_dim3A_339 : i1 to vector<16xi1>
          %masked_cumsum3A_341 = tpu.scan <sum>, %mul3A_335 masked %broadcast_in_dim3A_340 : vector<16xf32>, vector<16xi1> -> vector<16xf32>
          %slice3A_342 = vector.extract_strided_slice %masked_cumsum3A_341 {offsets = [15], sizes = [1], strides = [1]} : vector<16xf32> to vector<1xf32>
          %squeeze3A_343 = vector.extract %slice3A_342[0] : f32 from vector<1xf32>
          %mul3A_344 = arith.constant 2.500000e-01 : f32
          %mul3A_345 = arith.mulf %squeeze3A_343, %mul3A_344 : f32
          %jit3A_346 = arith.constant -5.000000e+00 : f32
          %jit3A_347 = arith.constant 5.000000e+00 : f32
          %max3A_348 = arith.maximumf %jit3A_346, %mul3A_345 : f32
          %min3A_349 = arith.minimumf %jit3A_347, %max3A_348 : f32
          %broadcast_in_dim3A_350 = vector.broadcast %min3A_349 : f32 to vector<16xf32>
          %exp3A_351 = math.exp %broadcast_in_dim3A_350 : vector<16xf32>
          %get3A_352 = arith.index_cast %scan3A_195 : i32 to index
          %get3A_353 = arith.constant 48 : index
          %get3A_354 = tpu.vector_load %run_scoped3A_5[%get3A_352, %get3A_353] {strides = array<i32>} : memref<40x128xf32, #tpu.memory_space<vmem>>, vector<16xf32>,
          %add3A_355 = arith.addf %get3A_354, %mul3A_335 : vector<16xf32>
          %mul3A_356 = arith.mulf %add3A_355, %exp3A_351 : vector<16xf32>
          %swap3A_357 = arith.index_cast %scan3A_195 : i32 to index
          %swap3A_358 = arith.constant 48 : index
          %swap3A_359 = tpu.vector_load %run_scoped3A_8[%swap3A_357, %swap3A_358] {strides = array<i32>} : memref<40x128xf32, #tpu.memory_space<vmem>>, vector<16xf32>,
          tpu.vector_store %run_scoped3A_8[%swap3A_357, %swap3A_358], %mul3A_356 {strides = array<i32>} : memref<40x128xf32, #tpu.memory_space<vmem>>, vector<16xf32>,
          %eq3A_360 = arith.constant 3 : i32
          %eq3A_361 = vector.broadcast %eq3A_360 : i32 to vector<16xi32>
          %eq3A_362 = arith.cmpi eq, %iota3A, %eq3A_361 : vector<16xi32>
          %select_n3A_363 = arith.select %eq3A_362, %exp3A_351, %select_n3A_320 : vector<16xi1>, vector<16xf32>
          %eq3A_364 = arith.constant 11 : i32
          %eq3A_365 = vector.broadcast %eq3A_364 : i32 to vector<16xi32>
          %eq3A_366 = arith.cmpi eq, %iota3A, %eq3A_365 : vector<16xi32>
          %select_n3A_367 = arith.select %eq3A_366, %exp3A_351, %select_n3A_324 : vector<16xi1>, vector<16xf32>
          %get3A_368 = arith.index_cast %scan3A_195 : i32 to index
          %get3A_369 = arith.constant 64 : index
          %get3A_370 = tpu.vector_load %run_scoped3A_3[%get3A_368, %get3A_369] {strides = array<i32>} : memref<40x128xf32, #tpu.memory_space<vmem>>, vector<16xf32>,
          %get3A_371 = arith.index_cast %scan3A_195 : i32 to index
          %get3A_372 = arith.constant 64 : index
          %get3A_373 = tpu.vector_load %run_scoped3A_4[%get3A_371, %get3A_372] {strides = array<i32>} : memref<40x128xf32, #tpu.memory_space<vmem>>, vector<16xf32>,
          %mul3A_374 = arith.mulf %get3A_370, %get3A_373 : vector<16xf32>
          %get3A_375 = arith.index_cast %scan3A_195 : i32 to index
          %get3A_376 = arith.constant 64 : index
          %get3A_377 = tpu.vector_load %run_scoped3A_6[%get3A_375, %get3A_376] {strides = array<i32>} : memref<40x128xf32, #tpu.memory_space<vmem>>, vector<16xf32>,
          %mul3A_378 = arith.mulf %mul3A_374, %get3A_377 : vector<16xf32>
          %swap3A_379 = arith.index_cast %scan3A_195 : i32 to index
          %swap3A_380 = arith.constant 64 : index
          %swap3A_381 = tpu.vector_load %run_scoped3A_7[%swap3A_379, %swap3A_380] {strides = array<i32>} : memref<40x128xf32, #tpu.memory_space<vmem>>, vector<16xf32>,
          tpu.vector_store %run_scoped3A_7[%swap3A_379, %swap3A_380], %mul3A_378 {strides = array<i32>} : memref<40x128xf32, #tpu.memory_space<vmem>>, vector<16xf32>,
          %broadcast_in_dim3A_382 = arith.constant true
          %broadcast_in_dim3A_383 = vector.broadcast %broadcast_in_dim3A_382 : i1 to vector<16xi1>
          %masked_cumsum3A_384 = tpu.scan <sum>, %mul3A_378 masked %broadcast_in_dim3A_383 : vector<16xf32>, vector<16xi1> -> vector<16xf32>
          %slice3A_385 = vector.extract_strided_slice %masked_cumsum3A_384 {offsets = [15], sizes = [1], strides = [1]} : vector<16xf32> to vector<1xf32>
          %squeeze3A_386 = vector.extract %slice3A_385[0] : f32 from vector<1xf32>
          %mul3A_387 = arith.constant 2.500000e-01 : f32
          %mul3A_388 = arith.mulf %squeeze3A_386, %mul3A_387 : f32
          %jit3A_389 = arith.constant -5.000000e+00 : f32
          %jit3A_390 = arith.constant 5.000000e+00 : f32
          %max3A_391 = arith.maximumf %jit3A_389, %mul3A_388 : f32
          %min3A_392 = arith.minimumf %jit3A_390, %max3A_391 : f32
          %broadcast_in_dim3A_393 = vector.broadcast %min3A_392 : f32 to vector<16xf32>
          %exp3A_394 = math.exp %broadcast_in_dim3A_393 : vector<16xf32>
          %get3A_395 = arith.index_cast %scan3A_195 : i32 to index
          %get3A_396 = arith.constant 64 : index
          %get3A_397 = tpu.vector_load %run_scoped3A_5[%get3A_395, %get3A_396] {strides = array<i32>} : memref<40x128xf32, #tpu.memory_space<vmem>>, vector<16xf32>,
          %add3A_398 = arith.addf %get3A_397, %mul3A_378 : vector<16xf32>
          %mul3A_399 = arith.mulf %add3A_398, %exp3A_394 : vector<16xf32>
          %swap3A_400 = arith.index_cast %scan3A_195 : i32 to index
          %swap3A_401 = arith.constant 64 : index
          %swap3A_402 = tpu.vector_load %run_scoped3A_8[%swap3A_400, %swap3A_401] {strides = array<i32>} : memref<40x128xf32, #tpu.memory_space<vmem>>, vector<16xf32>,
          tpu.vector_store %run_scoped3A_8[%swap3A_400, %swap3A_401], %mul3A_399 {strides = array<i32>} : memref<40x128xf32, #tpu.memory_space<vmem>>, vector<16xf32>,
          %eq3A_403 = arith.constant 4 : i32
          %eq3A_404 = vector.broadcast %eq3A_403 : i32 to vector<16xi32>
          %eq3A_405 = arith.cmpi eq, %iota3A, %eq3A_404 : vector<16xi32>
          %select_n3A_406 = arith.select %eq3A_405, %exp3A_394, %select_n3A_363 : vector<16xi1>, vector<16xf32>
          %eq3A_407 = arith.constant 12 : i32
          %eq3A_408 = vector.broadcast %eq3A_407 : i32 to vector<16xi32>
          %eq3A_409 = arith.cmpi eq, %iota3A, %eq3A_408 : vector<16xi32>
          %select_n3A_410 = arith.select %eq3A_409, %exp3A_394, %select_n3A_367 : vector<16xi1>, vector<16xf32>
          %get3A_411 = arith.index_cast %scan3A_195 : i32 to index
          %get3A_412 = arith.constant 80 : index
          %get3A_413 = tpu.vector_load %run_scoped3A_3[%get3A_411, %get3A_412] {strides = array<i32>} : memref<40x128xf32, #tpu.memory_space<vmem>>, vector<16xf32>,
          %get3A_414 = arith.index_cast %scan3A_195 : i32 to index
          %get3A_415 = arith.constant 80 : index
          %get3A_416 = tpu.vector_load %run_scoped3A_4[%get3A_414, %get3A_415] {strides = array<i32>} : memref<40x128xf32, #tpu.memory_space<vmem>>, vector<16xf32>,
          %mul3A_417 = arith.mulf %get3A_413, %get3A_416 : vector<16xf32>
          %get3A_418 = arith.index_cast %scan3A_195 : i32 to index
          %get3A_419 = arith.constant 80 : index
          %get3A_420 = tpu.vector_load %run_scoped3A_6[%get3A_418, %get3A_419] {strides = array<i32>} : memref<40x128xf32, #tpu.memory_space<vmem>>, vector<16xf32>,
          %mul3A_421 = arith.mulf %mul3A_417, %get3A_420 : vector<16xf32>
          %swap3A_422 = arith.index_cast %scan3A_195 : i32 to index
          %swap3A_423 = arith.constant 80 : index
          %swap3A_424 = tpu.vector_load %run_scoped3A_7[%swap3A_422, %swap3A_423] {strides = array<i32>} : memref<40x128xf32, #tpu.memory_space<vmem>>, vector<16xf32>,
          tpu.vector_store %run_scoped3A_7[%swap3A_422, %swap3A_423], %mul3A_421 {strides = array<i32>} : memref<40x128xf32, #tpu.memory_space<vmem>>, vector<16xf32>,
          %broadcast_in_dim3A_425 = arith.constant true
          %broadcast_in_dim3A_426 = vector.broadcast %broadcast_in_dim3A_425 : i1 to vector<16xi1>
          %masked_cumsum3A_427 = tpu.scan <sum>, %mul3A_421 masked %broadcast_in_dim3A_426 : vector<16xf32>, vector<16xi1> -> vector<16xf32>
          %slice3A_428 = vector.extract_strided_slice %masked_cumsum3A_427 {offsets = [15], sizes = [1], strides = [1]} : vector<16xf32> to vector<1xf32>
          %squeeze3A_429 = vector.extract %slice3A_428[0] : f32 from vector<1xf32>
          %mul3A_430 = arith.constant 2.500000e-01 : f32
          %mul3A_431 = arith.mulf %squeeze3A_429, %mul3A_430 : f32
          %jit3A_432 = arith.constant -5.000000e+00 : f32
          %jit3A_433 = arith.constant 5.000000e+00 : f32
          %max3A_434 = arith.maximumf %jit3A_432, %mul3A_431 : f32
          %min3A_435 = arith.minimumf %jit3A_433, %max3A_434 : f32
          %broadcast_in_dim3A_436 = vector.broadcast %min3A_435 : f32 to vector<16xf32>
          %exp3A_437 = math.exp %broadcast_in_dim3A_436 : vector<16xf32>
          %get3A_438 = arith.index_cast %scan3A_195 : i32 to index
          %get3A_439 = arith.constant 80 : index
          %get3A_440 = tpu.vector_load %run_scoped3A_5[%get3A_438, %get3A_439] {strides = array<i32>} : memref<40x128xf32, #tpu.memory_space<vmem>>, vector<16xf32>,
          %add3A_441 = arith.addf %get3A_440, %mul3A_421 : vector<16xf32>
          %mul3A_442 = arith.mulf %add3A_441, %exp3A_437 : vector<16xf32>
          %swap3A_443 = arith.index_cast %scan3A_195 : i32 to index
          %swap3A_444 = arith.constant 80 : index
          %swap3A_445 = tpu.vector_load %run_scoped3A_8[%swap3A_443, %swap3A_444] {strides = array<i32>} : memref<40x128xf32, #tpu.memory_space<vmem>>, vector<16xf32>,
          tpu.vector_store %run_scoped3A_8[%swap3A_443, %swap3A_444], %mul3A_442 {strides = array<i32>} : memref<40x128xf32, #tpu.memory_space<vmem>>, vector<16xf32>,
          %eq3A_446 = arith.constant 5 : i32
          %eq3A_447 = vector.broadcast %eq3A_446 : i32 to vector<16xi32>
          %eq3A_448 = arith.cmpi eq, %iota3A, %eq3A_447 : vector<16xi32>
          %select_n3A_449 = arith.select %eq3A_448, %exp3A_437, %select_n3A_406 : vector<16xi1>, vector<16xf32>
          %eq3A_450 = arith.constant 13 : i32
          %eq3A_451 = vector.broadcast %eq3A_450 : i32 to vector<16xi32>
          %eq3A_452 = arith.cmpi eq, %iota3A, %eq3A_451 : vector<16xi32>
          %select_n3A_453 = arith.select %eq3A_452, %exp3A_437, %select_n3A_410 : vector<16xi1>, vector<16xf32>
          %get3A_454 = arith.index_cast %scan3A_195 : i32 to index
          %get3A_455 = arith.constant 96 : index
          %get3A_456 = tpu.vector_load %run_scoped3A_3[%get3A_454, %get3A_455] {strides = array<i32>} : memref<40x128xf32, #tpu.memory_space<vmem>>, vector<16xf32>,
          %get3A_457 = arith.index_cast %scan3A_195 : i32 to index
          %get3A_458 = arith.constant 96 : index
          %get3A_459 = tpu.vector_load %run_scoped3A_4[%get3A_457, %get3A_458] {strides = array<i32>} : memref<40x128xf32, #tpu.memory_space<vmem>>, vector<16xf32>,
          %mul3A_460 = arith.mulf %get3A_456, %get3A_459 : vector<16xf32>
          %get3A_461 = arith.index_cast %scan3A_195 : i32 to index
          %get3A_462 = arith.constant 96 : index
          %get3A_463 = tpu.vector_load %run_scoped3A_6[%get3A_461, %get3A_462] {strides = array<i32>} : memref<40x128xf32, #tpu.memory_space<vmem>>, vector<16xf32>,
          %mul3A_464 = arith.mulf %mul3A_460, %get3A_463 : vector<16xf32>
          %swap3A_465 = arith.index_cast %scan3A_195 : i32 to index
          %swap3A_466 = arith.constant 96 : index
          %swap3A_467 = tpu.vector_load %run_scoped3A_7[%swap3A_465, %swap3A_466] {strides = array<i32>} : memref<40x128xf32, #tpu.memory_space<vmem>>, vector<16xf32>,
          tpu.vector_store %run_scoped3A_7[%swap3A_465, %swap3A_466], %mul3A_464 {strides = array<i32>} : memref<40x128xf32, #tpu.memory_space<vmem>>, vector<16xf32>,
          %broadcast_in_dim3A_468 = arith.constant true
          %broadcast_in_dim3A_469 = vector.broadcast %broadcast_in_dim3A_468 : i1 to vector<16xi1>
          %masked_cumsum3A_470 = tpu.scan <sum>, %mul3A_464 masked %broadcast_in_dim3A_469 : vector<16xf32>, vector<16xi1> -> vector<16xf32>
          %slice3A_471 = vector.extract_strided_slice %masked_cumsum3A_470 {offsets = [15], sizes = [1], strides = [1]} : vector<16xf32> to vector<1xf32>
          %squeeze3A_472 = vector.extract %slice3A_471[0] : f32 from vector<1xf32>
          %mul3A_473 = arith.constant 2.500000e-01 : f32
          %mul3A_474 = arith.mulf %squeeze3A_472, %mul3A_473 : f32
          %jit3A_475 = arith.constant -5.000000e+00 : f32
          %jit3A_476 = arith.constant 5.000000e+00 : f32
          %max3A_477 = arith.maximumf %jit3A_475, %mul3A_474 : f32
          %min3A_478 = arith.minimumf %jit3A_476, %max3A_477 : f32
          %broadcast_in_dim3A_479 = vector.broadcast %min3A_478 : f32 to vector<16xf32>
          %exp3A_480 = math.exp %broadcast_in_dim3A_479 : vector<16xf32>
          %get3A_481 = arith.index_cast %scan3A_195 : i32 to index
          %get3A_482 = arith.constant 96 : index
          %get3A_483 = tpu.vector_load %run_scoped3A_5[%get3A_481, %get3A_482] {strides = array<i32>} : memref<40x128xf32, #tpu.memory_space<vmem>>, vector<16xf32>,
          %add3A_484 = arith.addf %get3A_483, %mul3A_464 : vector<16xf32>
          %mul3A_485 = arith.mulf %add3A_484, %exp3A_480 : vector<16xf32>
          %swap3A_486 = arith.index_cast %scan3A_195 : i32 to index
          %swap3A_487 = arith.constant 96 : index
          %swap3A_488 = tpu.vector_load %run_scoped3A_8[%swap3A_486, %swap3A_487] {strides = array<i32>} : memref<40x128xf32, #tpu.memory_space<vmem>>, vector<16xf32>,
          tpu.vector_store %run_scoped3A_8[%swap3A_486, %swap3A_487], %mul3A_485 {strides = array<i32>} : memref<40x128xf32, #tpu.memory_space<vmem>>, vector<16xf32>,
          %eq3A_489 = arith.constant 6 : i32
          %eq3A_490 = vector.broadcast %eq3A_489 : i32 to vector<16xi32>
          %eq3A_491 = arith.cmpi eq, %iota3A, %eq3A_490 : vector<16xi32>
          %select_n3A_492 = arith.select %eq3A_491, %exp3A_480, %select_n3A_449 : vector<16xi1>, vector<16xf32>
          %eq3A_493 = arith.constant 14 : i32
          %eq3A_494 = vector.broadcast %eq3A_493 : i32 to vector<16xi32>
          %eq3A_495 = arith.cmpi eq, %iota3A, %eq3A_494 : vector<16xi32>
          %select_n3A_496 = arith.select %eq3A_495, %exp3A_480, %select_n3A_453 : vector<16xi1>, vector<16xf32>
          %get3A_497 = arith.index_cast %scan3A_195 : i32 to index
          %get3A_498 = arith.constant 112 : index
          %get3A_499 = tpu.vector_load %run_scoped3A_3[%get3A_497, %get3A_498] {strides = array<i32>} : memref<40x128xf32, #tpu.memory_space<vmem>>, vector<16xf32>,
          %get3A_500 = arith.index_cast %scan3A_195 : i32 to index
          %get3A_501 = arith.constant 112 : index
          %get3A_502 = tpu.vector_load %run_scoped3A_4[%get3A_500, %get3A_501] {strides = array<i32>} : memref<40x128xf32, #tpu.memory_space<vmem>>, vector<16xf32>,
          %mul3A_503 = arith.mulf %get3A_499, %get3A_502 : vector<16xf32>
          %get3A_504 = arith.index_cast %scan3A_195 : i32 to index
          %get3A_505 = arith.constant 112 : index
          %get3A_506 = tpu.vector_load %run_scoped3A_6[%get3A_504, %get3A_505] {strides = array<i32>} : memref<40x128xf32, #tpu.memory_space<vmem>>, vector<16xf32>,
          %mul3A_507 = arith.mulf %mul3A_503, %get3A_506 : vector<16xf32>
          %swap3A_508 = arith.index_cast %scan3A_195 : i32 to index
          %swap3A_509 = arith.constant 112 : index
          %swap3A_510 = tpu.vector_load %run_scoped3A_7[%swap3A_508, %swap3A_509] {strides = array<i32>} : memref<40x128xf32, #tpu.memory_space<vmem>>, vector<16xf32>,
          tpu.vector_store %run_scoped3A_7[%swap3A_508, %swap3A_509], %mul3A_507 {strides = array<i32>} : memref<40x128xf32, #tpu.memory_space<vmem>>, vector<16xf32>,
          %broadcast_in_dim3A_511 = arith.constant true
          %broadcast_in_dim3A_512 = vector.broadcast %broadcast_in_dim3A_511 : i1 to vector<16xi1>
          %masked_cumsum3A_513 = tpu.scan <sum>, %mul3A_507 masked %broadcast_in_dim3A_512 : vector<16xf32>, vector<16xi1> -> vector<16xf32>
          %slice3A_514 = vector.extract_strided_slice %masked_cumsum3A_513 {offsets = [15], sizes = [1], strides = [1]} : vector<16xf32> to vector<1xf32>
          %squeeze3A_515 = vector.extract %slice3A_514[0] : f32 from vector<1xf32>
          %mul3A_516 = arith.constant 2.500000e-01 : f32
          %mul3A_517 = arith.mulf %squeeze3A_515, %mul3A_516 : f32
          %jit3A_518 = arith.constant -5.000000e+00 : f32
          %jit3A_519 = arith.constant 5.000000e+00 : f32
          %max3A_520 = arith.maximumf %jit3A_518, %mul3A_517 : f32
          %min3A_521 = arith.minimumf %jit3A_519, %max3A_520 : f32
          %broadcast_in_dim3A_522 = vector.broadcast %min3A_521 : f32 to vector<16xf32>
          %exp3A_523 = math.exp %broadcast_in_dim3A_522 : vector<16xf32>
          %get3A_524 = arith.index_cast %scan3A_195 : i32 to index
          %get3A_525 = arith.constant 112 : index
          %get3A_526 = tpu.vector_load %run_scoped3A_5[%get3A_524, %get3A_525] {strides = array<i32>} : memref<40x128xf32, #tpu.memory_space<vmem>>, vector<16xf32>,
          %add3A_527 = arith.addf %get3A_526, %mul3A_507 : vector<16xf32>
          %mul3A_528 = arith.mulf %add3A_527, %exp3A_523 : vector<16xf32>
          %swap3A_529 = arith.index_cast %scan3A_195 : i32 to index
          %swap3A_530 = arith.constant 112 : index
          %swap3A_531 = tpu.vector_load %run_scoped3A_8[%swap3A_529, %swap3A_530] {strides = array<i32>} : memref<40x128xf32, #tpu.memory_space<vmem>>, vector<16xf32>,
          tpu.vector_store %run_scoped3A_8[%swap3A_529, %swap3A_530], %mul3A_528 {strides = array<i32>} : memref<40x128xf32, #tpu.memory_space<vmem>>, vector<16xf32>,
          %eq3A_532 = arith.constant 7 : i32
          %eq3A_533 = vector.broadcast %eq3A_532 : i32 to vector<16xi32>
          %eq3A_534 = arith.cmpi eq, %iota3A, %eq3A_533 : vector<16xi32>
          %select_n3A_535 = arith.select %eq3A_534, %exp3A_523, %select_n3A_492 : vector<16xi1>, vector<16xf32>
          %eq3A_536 = arith.constant 15 : i32
          %eq3A_537 = vector.broadcast %eq3A_536 : i32 to vector<16xi32>
          %eq3A_538 = arith.cmpi eq, %iota3A, %eq3A_537 : vector<16xi32>
          %select_n3A_539 = arith.select %eq3A_538, %exp3A_523, %select_n3A_496 : vector<16xi1>, vector<16xf32>
          %swap3A_540 = arith.index_cast %scan3A_195 : i32 to index
          %swap3A_541 = arith.constant 0 : index
          %swap3A_542 = tpu.vector_load %run_scoped3A_9[%swap3A_540, %swap3A_541] {strides = array<i32>} : memref<40x128xf32, #tpu.memory_space<vmem>>, vector<16xf32>,
          tpu.vector_store %run_scoped3A_9[%swap3A_540, %swap3A_541], %broadcast_in_dim3A_11 {strides = array<i32>} : memref<40x128xf32, #tpu.memory_space<vmem>>, vector<16xf32>,
          %swap3A_543 = arith.index_cast %scan3A_195 : i32 to index
          %swap3A_544 = arith.constant 16 : index
          %swap3A_545 = tpu.vector_load %run_scoped3A_9[%swap3A_543, %swap3A_544] {strides = array<i32>} : memref<40x128xf32, #tpu.memory_space<vmem>>, vector<16xf32>,
          tpu.vector_store %run_scoped3A_9[%swap3A_543, %swap3A_544], %broadcast_in_dim3A_11 {strides = array<i32>} : memref<40x128xf32, #tpu.memory_space<vmem>>, vector<16xf32>,
          %swap3A_546 = arith.index_cast %scan3A_195 : i32 to index
          %swap3A_547 = arith.constant 32 : index
          %swap3A_548 = tpu.vector_load %run_scoped3A_9[%swap3A_546, %swap3A_547] {strides = array<i32>} : memref<40x128xf32, #tpu.memory_space<vmem>>, vector<16xf32>,
          tpu.vector_store %run_scoped3A_9[%swap3A_546, %swap3A_547], %broadcast_in_dim3A_11 {strides = array<i32>} : memref<40x128xf32, #tpu.memory_space<vmem>>, vector<16xf32>,
          %swap3A_549 = arith.index_cast %scan3A_195 : i32 to index
          %swap3A_550 = arith.constant 48 : index
          %swap3A_551 = tpu.vector_load %run_scoped3A_9[%swap3A_549, %swap3A_550] {strides = array<i32>} : memref<40x128xf32, #tpu.memory_space<vmem>>, vector<16xf32>,
          tpu.vector_store %run_scoped3A_9[%swap3A_549, %swap3A_550], %broadcast_in_dim3A_11 {strides = array<i32>} : memref<40x128xf32, #tpu.memory_space<vmem>>, vector<16xf32>,
          %swap3A_552 = arith.index_cast %scan3A_195 : i32 to index
          %swap3A_553 = arith.constant 64 : index
          %swap3A_554 = tpu.vector_load %run_scoped3A_9[%swap3A_552, %swap3A_553] {strides = array<i32>} : memref<40x128xf32, #tpu.memory_space<vmem>>, vector<16xf32>,
          tpu.vector_store %run_scoped3A_9[%swap3A_552, %swap3A_553], %broadcast_in_dim3A_11 {strides = array<i32>} : memref<40x128xf32, #tpu.memory_space<vmem>>, vector<16xf32>,
          %swap3A_555 = arith.index_cast %scan3A_195 : i32 to index
          %swap3A_556 = arith.constant 80 : index
          %swap3A_557 = tpu.vector_load %run_scoped3A_9[%swap3A_555, %swap3A_556] {strides = array<i32>} : memref<40x128xf32, #tpu.memory_space<vmem>>, vector<16xf32>,
          tpu.vector_store %run_scoped3A_9[%swap3A_555, %swap3A_556], %broadcast_in_dim3A_11 {strides = array<i32>} : memref<40x128xf32, #tpu.memory_space<vmem>>, vector<16xf32>,
          %swap3A_558 = arith.index_cast %scan3A_195 : i32 to index
          %swap3A_559 = arith.constant 96 : index
          %swap3A_560 = tpu.vector_load %run_scoped3A_9[%swap3A_558, %swap3A_559] {strides = array<i32>} : memref<40x128xf32, #tpu.memory_space<vmem>>, vector<16xf32>,
          tpu.vector_store %run_scoped3A_9[%swap3A_558, %swap3A_559], %broadcast_in_dim3A_11 {strides = array<i32>} : memref<40x128xf32, #tpu.memory_space<vmem>>, vector<16xf32>,
          %swap3A_561 = arith.index_cast %scan3A_195 : i32 to index
          %swap3A_562 = arith.constant 112 : index
          %swap3A_563 = tpu.vector_load %run_scoped3A_9[%swap3A_561, %swap3A_562] {strides = array<i32>} : memref<40x128xf32, #tpu.memory_space<vmem>>, vector<16xf32>,
          tpu.vector_store %run_scoped3A_9[%swap3A_561, %swap3A_562], %broadcast_in_dim3A_11 {strides = array<i32>} : memref<40x128xf32, #tpu.memory_space<vmem>>, vector<16xf32>,
          %eq3A_564 = arith.constant 1 : i32
          %eq3A_565 = arith.cmpi eq, %and3A_203, %eq3A_564 : i32
          %select_n3A_566 = arith.select %eq3A_565, %select_n3A_539, %select_n3A_535 : vector<16xf32>
          %mul3A_567 = arith.constant 16 : i32
          %mul3A_568 = arith.muli %shift_right_arithmetic3A_201, %mul3A_567 : i32
          %swap3A_569 = arith.index_cast %scan3A_195 : i32 to index
          %swap3A_570 = arith.index_cast %mul3A_568 : i32 to index
          %swap3A_571 = tpu.vector_load %run_scoped3A_9[%swap3A_569, %swap3A_570] {strides = array<i32>} : memref<40x128xf32, #tpu.memory_space<vmem>>, vector<16xf32>,
          tpu.vector_store %run_scoped3A_9[%swap3A_569, %swap3A_570], %select_n3A_566 {strides = array<i32>} : memref<40x128xf32, #tpu.memory_space<vmem>>, vector<16xf32>,
          %scan3A_572 = arith.constant 0 : i32
          scf.yield %scan3A_572 : i32
        }
        %scan3A_193 = arith.constant 40 : i32
        "tpu.region"() ({
          %run_scoped3A_195 = tpu.sem_alloc : memref<!tpu.dma_semaphore, #tpu.memory_space<semaphore_mem>>
          %dma_start3A_196 = arith.constant 0 : i32
          %dma_start3A_197 = tpu.memref_slice %arg8[%add3A_112, %dma_start3A_196] : memref<320000x128xf32, #tpu.memory_space<hbm>> -> memref<40x128xf32, #tpu.memory_space<hbm>>
          %dma_start3A_198 = arith.constant 0 : i32
          %dma_start3A_199 = tpu.memref_slice %arg8[%add3A_112, %dma_start3A_198] : memref<320000x128xf32, #tpu.memory_space<hbm>> -> memref<40x128xf32, #tpu.memory_space<hbm>>
          tpu.enqueue_dma source(%run_scoped3A_7 : memref<40x128xf32, #tpu.memory_space<vmem>>) target(%dma_start3A_199 : memref<40x128xf32, #tpu.memory_space<hbm>>) target_semaphore(%run_scoped3A_195 : memref<!tpu.dma_semaphore, #tpu.memory_space<semaphore_mem>>)
          %dma_wait3A_200 = arith.constant 0 : i32
          %dma_wait3A_201 = tpu.memref_slice %arg8[%add3A_112, %dma_wait3A_200] : memref<320000x128xf32, #tpu.memory_space<hbm>> -> memref<40x128xf32, #tpu.memory_space<hbm>>
          %dma_wait3A_202 = arith.constant 0 : i32
          %dma_wait3A_203 = tpu.memref_slice %arg8[%add3A_112, %dma_wait3A_202] : memref<320000x128xf32, #tpu.memory_space<hbm>> -> memref<40x128xf32, #tpu.memory_space<hbm>>
          tpu.wait_dma2 semaphore(%run_scoped3A_195 : memref<!tpu.dma_semaphore, #tpu.memory_space<semaphore_mem>>) src(%run_scoped3A_7 : memref<40x128xf32, #tpu.memory_space<vmem>>) dst(%dma_wait3A_203 : memref<40x128xf32, #tpu.memory_space<hbm>>)
          tpu.yield
        }) : () -> ()
        "tpu.region"() ({
          %run_scoped3A_195 = tpu.sem_alloc : memref<!tpu.dma_semaphore, #tpu.memory_space<semaphore_mem>>
          %dma_start3A_196 = arith.constant 0 : i32
          %dma_start3A_197 = arith.constant 0 : i32
          %dma_start3A_198 = tpu.memref_slice %arg11[%dma_start3A_196, %dma_start3A_197] : memref<10240x128xf32, #tpu.memory_space<vmem_shared>> -> memref<10240x128xf32, #tpu.memory_space<vmem_shared>>
          tpu.enqueue_indirect_dma source(%run_scoped3A_8 : memref<40x128xf32, #tpu.memory_space<vmem>>) target(%dma_start3A_198 : memref<10240x128xf32, #tpu.memory_space<vmem_shared>>) offsets(%run_scoped3A_0 : memref<40xi32, #tpu.memory_space<vmem>>) semaphore(%run_scoped3A_195 : memref<!tpu.dma_semaphore, #tpu.memory_space<semaphore_mem>>) {add = true}
          %dma_wait3A_199 = arith.constant 0 : i32
          %dma_wait3A_200 = arith.constant 0 : i32
          %dma_wait3A_201 = tpu.memref_slice %arg11[%dma_wait3A_199, %dma_wait3A_200] : memref<10240x128xf32, #tpu.memory_space<vmem_shared>> -> memref<10240x128xf32, #tpu.memory_space<vmem_shared>>
          tpu.wait_indirect_dma semaphore(%run_scoped3A_195 : memref<!tpu.dma_semaphore, #tpu.memory_space<semaphore_mem>>) src(%run_scoped3A_8 : memref<40x128xf32, #tpu.memory_space<vmem>>) dst(%dma_wait3A_201 : memref<10240x128xf32, #tpu.memory_space<vmem_shared>>)
          tpu.yield
        }) : () -> ()
        "tpu.region"() ({
          %run_scoped3A_195 = tpu.sem_alloc : memref<!tpu.dma_semaphore, #tpu.memory_space<semaphore_mem>>
          %dma_start3A_196 = arith.constant 0 : i32
          %dma_start3A_197 = arith.constant 0 : i32
          %dma_start3A_198 = tpu.memref_slice %arg12[%dma_start3A_196, %dma_start3A_197] : memref<640x128xf32, #tpu.memory_space<vmem_shared>> -> memref<640x128xf32, #tpu.memory_space<vmem_shared>>
          tpu.enqueue_indirect_dma source(%run_scoped3A_9 : memref<40x128xf32, #tpu.memory_space<vmem>>) target(%dma_start3A_198 : memref<640x128xf32, #tpu.memory_space<vmem_shared>>) offsets(%run_scoped3A_2 : memref<40xi32, #tpu.memory_space<vmem>>) semaphore(%run_scoped3A_195 : memref<!tpu.dma_semaphore, #tpu.memory_space<semaphore_mem>>) {add = true}
          %dma_wait3A_199 = arith.constant 0 : i32
          %dma_wait3A_200 = arith.constant 0 : i32
          %dma_wait3A_201 = tpu.memref_slice %arg12[%dma_wait3A_199, %dma_wait3A_200] : memref<640x128xf32, #tpu.memory_space<vmem_shared>> -> memref<640x128xf32, #tpu.memory_space<vmem_shared>>
          tpu.wait_indirect_dma semaphore(%run_scoped3A_195 : memref<!tpu.dma_semaphore, #tpu.memory_space<semaphore_mem>>) src(%run_scoped3A_9 : memref<40x128xf32, #tpu.memory_space<vmem>>) dst(%dma_wait3A_201 : memref<640x128xf32, #tpu.memory_space<vmem_shared>>)
          tpu.yield
        }) : () -> ()
        %scan3A_194 = arith.constant 0 : i32
        scf.yield %scan3A_194 : i32
      }
      %scan3A_90 = arith.constant 250 : i32
      %barrier3A_91 = arith.constant 0 : index
      tpu.barrier barrier_id(%barrier3A_91)
      %mul3A_92 = arith.constant 640 : i32
      %mul3A_93 = arith.muli %arg1, %mul3A_92 : i32
      %mul3A_94 = arith.constant 10240 : i32
      %mul3A_95 = arith.muli %arg0, %mul3A_94 : i32
      %mul3A_96 = arith.constant 640 : i32
      %mul3A_97 = arith.muli %arg1, %mul3A_96 : i32
      %add3A_98 = arith.addi %mul3A_95, %mul3A_97 : i32
      "tpu.region"() ({
        %run_scoped3A_106 = tpu.sem_alloc : memref<!tpu.dma_semaphore, #tpu.memory_space<semaphore_mem>>
        %dma_start3A = arith.constant 0 : i32
        %dma_start3A_107 = tpu.memref_slice %arg9[%add3A_98, %dma_start3A] : memref<20480x128xf32, #tpu.memory_space<hbm>> -> memref<640x128xf32, #tpu.memory_space<hbm>>
        %dma_start3A_108 = arith.constant 0 : i32
        %dma_start3A_109 = tpu.memref_slice %arg11[%mul3A_93, %dma_start3A_108] : memref<10240x128xf32, #tpu.memory_space<vmem_shared>> -> memref<640x128xf32, #tpu.memory_space<vmem_shared>>
        tpu.enqueue_dma source(%dma_start3A_109 : memref<640x128xf32, #tpu.memory_space<vmem_shared>>) target(%dma_start3A_107 : memref<640x128xf32, #tpu.memory_space<hbm>>) target_semaphore(%run_scoped3A_106 : memref<!tpu.dma_semaphore, #tpu.memory_space<semaphore_mem>>)
        %dma_wait3A = arith.constant 0 : i32
        %dma_wait3A_110 = tpu.memref_slice %arg9[%add3A_98, %dma_wait3A] : memref<20480x128xf32, #tpu.memory_space<hbm>> -> memref<640x128xf32, #tpu.memory_space<hbm>>
        %dma_wait3A_111 = arith.constant 0 : i32
        %dma_wait3A_112 = tpu.memref_slice %arg11[%mul3A_93, %dma_wait3A_111] : memref<10240x128xf32, #tpu.memory_space<vmem_shared>> -> memref<640x128xf32, #tpu.memory_space<vmem_shared>>
        tpu.wait_dma2 semaphore(%run_scoped3A_106 : memref<!tpu.dma_semaphore, #tpu.memory_space<semaphore_mem>>) src(%dma_wait3A_112 : memref<640x128xf32, #tpu.memory_space<vmem_shared>>) dst(%dma_wait3A_110 : memref<640x128xf32, #tpu.memory_space<hbm>>)
        tpu.yield
      }) : () -> ()
      %mul3A_99 = arith.constant 40 : i32
      %mul3A_100 = arith.muli %arg1, %mul3A_99 : i32
      %mul3A_101 = arith.constant 640 : i32
      %mul3A_102 = arith.muli %arg0, %mul3A_101 : i32
      %mul3A_103 = arith.constant 40 : i32
      %mul3A_104 = arith.muli %arg1, %mul3A_103 : i32
      %add3A_105 = arith.addi %mul3A_102, %mul3A_104 : i32
      "tpu.region"() ({
        %run_scoped3A_106 = tpu.sem_alloc : memref<!tpu.dma_semaphore, #tpu.memory_space<semaphore_mem>>
        %dma_start3A = arith.constant 0 : i32
        %dma_start3A_107 = tpu.memref_slice %arg10[%add3A_105, %dma_start3A] : memref<1280x128xf32, #tpu.memory_space<hbm>> -> memref<40x128xf32, #tpu.memory_space<hbm>>
        %dma_start3A_108 = arith.constant 0 : i32
        %dma_start3A_109 = tpu.memref_slice %arg12[%mul3A_100, %dma_start3A_108] : memref<640x128xf32, #tpu.memory_space<vmem_shared>> -> memref<40x128xf32, #tpu.memory_space<vmem_shared>>
        tpu.enqueue_dma source(%dma_start3A_109 : memref<40x128xf32, #tpu.memory_space<vmem_shared>>) target(%dma_start3A_107 : memref<40x128xf32, #tpu.memory_space<hbm>>) target_semaphore(%run_scoped3A_106 : memref<!tpu.dma_semaphore, #tpu.memory_space<semaphore_mem>>)
        %dma_wait3A = arith.constant 0 : i32
        %dma_wait3A_110 = tpu.memref_slice %arg10[%add3A_105, %dma_wait3A] : memref<1280x128xf32, #tpu.memory_space<hbm>> -> memref<40x128xf32, #tpu.memory_space<hbm>>
        %dma_wait3A_111 = arith.constant 0 : i32
        %dma_wait3A_112 = tpu.memref_slice %arg12[%mul3A_100, %dma_wait3A_111] : memref<640x128xf32, #tpu.memory_space<vmem_shared>> -> memref<40x128xf32, #tpu.memory_space<vmem_shared>>
        tpu.wait_dma2 semaphore(%run_scoped3A_106 : memref<!tpu.dma_semaphore, #tpu.memory_space<semaphore_mem>>) src(%dma_wait3A_112 : memref<40x128xf32, #tpu.memory_space<vmem_shared>>) dst(%dma_wait3A_110 : memref<40x128xf32, #tpu.memory_space<hbm>>)
        tpu.yield
      }) : () -> ()
      tpu.yield
    }) : () -> ()
    return
  }
}

module attributes {stable_mosaic.version = 14 : i64} {
  func.func @_e_body(%arg0: i32, %arg1: memref<2000x128xf32, #tpu.memory_space<vmem>>, %arg2: memref<128x128xf32, #tpu.memory_space<vmem>>, %arg3: memref<8x128xf32, #tpu.memory_space<vmem>>, %arg4: memref<2000x128xf32, #tpu.memory_space<vmem>>) attributes {dimension_semantics = [#tpu.dimension_semantics<arbitrary>], iteration_bounds = array<i64: 160>, scalar_prefetch = 0 : i64, scratch_operands = 0 : i64, tpu.core_type = #tpu.core_type<tc>, window_params = [{transform_indices = @transform_0, window_bounds = array<i64: 2000, 128>}, {pipeline_mode = #tpu.pipeline_mode<synchronous>, transform_indices = @transform_1, window_bounds = array<i64: 128, 128>}, {pipeline_mode = #tpu.pipeline_mode<synchronous>, transform_indices = @transform_2, window_bounds = array<i64: 8, 128>}, {transform_indices = @transform_3, window_bounds = array<i64: 2000, 128>}]} {
    %get3A = arith.constant 0 : index
    %get3A_0 = arith.constant 0 : index
    %get3A_1 = vector.load %arg1[%get3A, %get3A_0] : memref<2000x128xf32, #tpu.memory_space<vmem>>, vector<2000x128xf32>
    %get3A_2 = arith.constant 0 : index
    %get3A_3 = arith.constant 0 : index
    %get3A_4 = vector.load %arg2[%get3A_2, %get3A_3] : memref<128x128xf32, #tpu.memory_space<vmem>>, vector<128x128xf32>
    %dot_general3A = arith.constant dense<0.000000e+00> : vector<2000x128xf32>
    %dot_general3A_5 = tpu.matmul %get3A_1, %get3A_4, %dot_general3A {dimension_numbers = #tpu.dot_dimension_numbers<[1], [0], [0], [1], [0, 0, 1, 1], [], []>, transpose_lhs_hint = false} : vector<2000x128xf32>, vector<128x128xf32>, vector<2000x128xf32> -> vector<2000x128xf32>
    %get3A_6 = arith.constant 0 : index
    %get3A_7 = arith.constant 0 : index
    %get3A_8 = vector.load %arg3[%get3A_6, %get3A_7] : memref<8x128xf32, #tpu.memory_space<vmem>>, vector<1x128xf32>
    %add3A = vector.broadcast %get3A_8 : vector<1x128xf32> to vector<2000x128xf32>
    %add3A_9 = arith.addf %dot_general3A_5, %add3A : vector<2000x128xf32>
    %swap3A = arith.constant 0 : index
    %swap3A_10 = arith.constant 0 : index
    %swap3A_11 = vector.load %arg4[%swap3A, %swap3A_10] : memref<2000x128xf32, #tpu.memory_space<vmem>>, vector<2000x128xf32>
    tpu.vector_store %arg4[%swap3A, %swap3A_10], %add3A_9 {strides = array<i32>} : memref<2000x128xf32, #tpu.memory_space<vmem>>, vector<2000x128xf32>,
    return
  }
  func.func @transform_0(%arg0: i32) -> (i32, i32) {
    %c0_i32 = arith.constant 0 : i32
    %c0_i32_0 = arith.constant 0 : i32
    return %arg0, %c0_i32 : i32, i32
  }
  func.func @transform_1(%arg0: i32) -> (i32, i32) {
    %c0_i32 = arith.constant 0 : i32
    %c0_i32_0 = arith.constant 0 : i32
    %c0_i32_1 = arith.constant 0 : i32
    return %c0_i32, %c0_i32_0 : i32, i32
  }
  func.func @transform_2(%arg0: i32) -> (i32, i32) {
    %c0_i32 = arith.constant 0 : i32
    %c0_i32_0 = arith.constant 0 : i32
    %c0_i32_1 = arith.constant 0 : i32
    return %c0_i32, %c0_i32_0 : i32, i32
  }
  func.func @transform_3(%arg0: i32) -> (i32, i32) {
    %c0_i32 = arith.constant 0 : i32
    %c0_i32_0 = arith.constant 0 : i32
    return %arg0, %c0_i32 : i32, i32
  }
}

module attributes {stable_mosaic.version = 14 : i64} {
  func.func @_qkv_body(%arg0: i32, %arg1: memref<1000x128xf32, #tpu.memory_space<vmem>>, %arg2: memref<128x384xf32, #tpu.memory_space<vmem>>, %arg3: memref<8x384xf32, #tpu.memory_space<vmem>>, %arg4: memref<1000x128xf32, #tpu.memory_space<vmem>>, %arg5: memref<1000x128xf32, #tpu.memory_space<vmem>>, %arg6: memref<1000x128xf32, #tpu.memory_space<vmem>>) attributes {dimension_semantics = [#tpu.dimension_semantics<arbitrary>], iteration_bounds = array<i64: 10>, scalar_prefetch = 0 : i64, scratch_operands = 0 : i64, tpu.core_type = #tpu.core_type<tc>, window_params = [{transform_indices = @transform_0, window_bounds = array<i64: 1000, 128>}, {pipeline_mode = #tpu.pipeline_mode<synchronous>, transform_indices = @transform_1, window_bounds = array<i64: 128, 384>}, {pipeline_mode = #tpu.pipeline_mode<synchronous>, transform_indices = @transform_2, window_bounds = array<i64: 8, 384>}, {transform_indices = @transform_3, window_bounds = array<i64: 1000, 128>}, {transform_indices = @transform_4, window_bounds = array<i64: 1000, 128>}, {transform_indices = @transform_5, window_bounds = array<i64: 1000, 128>}]} {
    %get3A = arith.constant 0 : index
    %get3A_0 = arith.constant 0 : index
    %get3A_1 = vector.load %arg1[%get3A, %get3A_0] : memref<1000x128xf32, #tpu.memory_space<vmem>>, vector<1000x128xf32>
    %get3A_2 = arith.constant 0 : index
    %get3A_3 = arith.constant 0 : index
    %get3A_4 = vector.load %arg2[%get3A_2, %get3A_3] : memref<128x384xf32, #tpu.memory_space<vmem>>, vector<128x384xf32>
    %dot_general3A = arith.constant dense<0.000000e+00> : vector<1000x384xf32>
    %dot_general3A_5 = tpu.matmul %get3A_1, %get3A_4, %dot_general3A {dimension_numbers = #tpu.dot_dimension_numbers<[1], [0], [0], [1], [0, 0, 1, 1], [], []>, transpose_lhs_hint = false} : vector<1000x128xf32>, vector<128x384xf32>, vector<1000x384xf32> -> vector<1000x384xf32>
    %get3A_6 = arith.constant 0 : index
    %get3A_7 = arith.constant 0 : index
    %get3A_8 = vector.load %arg3[%get3A_6, %get3A_7] : memref<8x384xf32, #tpu.memory_space<vmem>>, vector<1x384xf32>
    %add3A = vector.broadcast %get3A_8 : vector<1x384xf32> to vector<1000x384xf32>
    %add3A_9 = arith.addf %dot_general3A_5, %add3A : vector<1000x384xf32>
    %slice3A = vector.extract_strided_slice %add3A_9 {offsets = [0, 0], sizes = [1000, 128], strides = [1, 1]} : vector<1000x384xf32> to vector<1000x128xf32>
    %swap3A = arith.constant 0 : index
    %swap3A_10 = arith.constant 0 : index
    %swap3A_11 = vector.load %arg4[%swap3A, %swap3A_10] : memref<1000x128xf32, #tpu.memory_space<vmem>>, vector<1000x128xf32>
    tpu.vector_store %arg4[%swap3A, %swap3A_10], %slice3A {strides = array<i32>} : memref<1000x128xf32, #tpu.memory_space<vmem>>, vector<1000x128xf32>,
    %slice3A_12 = vector.extract_strided_slice %add3A_9 {offsets = [0, 128], sizes = [1000, 128], strides = [1, 1]} : vector<1000x384xf32> to vector<1000x128xf32>
    %swap3A_13 = arith.constant 0 : index
    %swap3A_14 = arith.constant 0 : index
    %swap3A_15 = vector.load %arg5[%swap3A_13, %swap3A_14] : memref<1000x128xf32, #tpu.memory_space<vmem>>, vector<1000x128xf32>
    tpu.vector_store %arg5[%swap3A_13, %swap3A_14], %slice3A_12 {strides = array<i32>} : memref<1000x128xf32, #tpu.memory_space<vmem>>, vector<1000x128xf32>,
    %slice3A_16 = vector.extract_strided_slice %add3A_9 {offsets = [0, 256], sizes = [1000, 128], strides = [1, 1]} : vector<1000x384xf32> to vector<1000x128xf32>
    %swap3A_17 = arith.constant 0 : index
    %swap3A_18 = arith.constant 0 : index
    %swap3A_19 = vector.load %arg6[%swap3A_17, %swap3A_18] : memref<1000x128xf32, #tpu.memory_space<vmem>>, vector<1000x128xf32>
    tpu.vector_store %arg6[%swap3A_17, %swap3A_18], %slice3A_16 {strides = array<i32>} : memref<1000x128xf32, #tpu.memory_space<vmem>>, vector<1000x128xf32>,
    return
  }
  func.func @transform_0(%arg0: i32) -> (i32, i32) {
    %c0_i32 = arith.constant 0 : i32
    %c0_i32_0 = arith.constant 0 : i32
    return %arg0, %c0_i32 : i32, i32
  }
  func.func @transform_1(%arg0: i32) -> (i32, i32) {
    %c0_i32 = arith.constant 0 : i32
    %c0_i32_0 = arith.constant 0 : i32
    %c0_i32_1 = arith.constant 0 : i32
    return %c0_i32, %c0_i32_0 : i32, i32
  }
  func.func @transform_2(%arg0: i32) -> (i32, i32) {
    %c0_i32 = arith.constant 0 : i32
    %c0_i32_0 = arith.constant 0 : i32
    %c0_i32_1 = arith.constant 0 : i32
    return %c0_i32, %c0_i32_0 : i32, i32
  }
  func.func @transform_3(%arg0: i32) -> (i32, i32) {
    %c0_i32 = arith.constant 0 : i32
    %c0_i32_0 = arith.constant 0 : i32
    return %arg0, %c0_i32 : i32, i32
  }
  func.func @transform_4(%arg0: i32) -> (i32, i32) {
    %c0_i32 = arith.constant 0 : i32
    %c0_i32_0 = arith.constant 0 : i32
    return %arg0, %c0_i32 : i32, i32
  }
  func.func @transform_5(%arg0: i32) -> (i32, i32) {
    %c0_i32 = arith.constant 0 : i32
    %c0_i32_0 = arith.constant 0 : i32
    return %arg0, %c0_i32 : i32, i32
  }
}

module attributes {stable_mosaic.version = 14 : i64} {
  func.func @_comb_body(%arg0: i32, %arg1: memref<2x1000x128xf32, #tpu.memory_space<vmem>>, %arg2: memref<2x1000x8xf32, #tpu.memory_space<vmem>>, %arg3: memref<1000x128xf32, #tpu.memory_space<vmem>>) attributes {dimension_semantics = [#tpu.dimension_semantics<arbitrary>], iteration_bounds = array<i64: 10>, scalar_prefetch = 0 : i64, scratch_operands = 0 : i64, tpu.core_type = #tpu.core_type<tc>, window_params = [{transform_indices = @transform_0, window_bounds = array<i64: 2, 1000, 128>}, {transform_indices = @transform_1, window_bounds = array<i64: 2, 1000, 8>}, {transform_indices = @transform_2, window_bounds = array<i64: 1000, 128>}]} {
    %get3A = arith.constant 0 : index
    %get3A_0 = arith.constant 0 : index
    %get3A_1 = arith.constant 0 : index
    %get3A_2 = vector.load %arg1[%get3A, %get3A_0, %get3A_1] : memref<2x1000x128xf32, #tpu.memory_space<vmem>>, vector<1x1000x128xf32>
    %get3A_3 = vector.shape_cast %get3A_2 : vector<1x1000x128xf32> to vector<1000x128xf32>
    %get3A_4 = arith.constant 1 : index
    %get3A_5 = arith.constant 0 : index
    %get3A_6 = arith.constant 0 : index
    %get3A_7 = vector.load %arg1[%get3A_4, %get3A_5, %get3A_6] : memref<2x1000x128xf32, #tpu.memory_space<vmem>>, vector<1x1000x128xf32>
    %get3A_8 = vector.shape_cast %get3A_7 : vector<1x1000x128xf32> to vector<1000x128xf32>
    %add3A = arith.addf %get3A_3, %get3A_8 : vector<1000x128xf32>
    %get3A_9 = arith.constant 0 : index
    %get3A_10 = arith.constant 0 : index
    %get3A_11 = arith.constant 0 : index
    %get3A_12 = vector.load %arg2[%get3A_9, %get3A_10, %get3A_11] : memref<2x1000x8xf32, #tpu.memory_space<vmem>>, vector<2x1000x8xf32>
    %reduce_sum3A = arith.constant dense<0.000000e+00> : vector<1000x8xf32>
    %reduce_sum3A_13 = vector.multi_reduction <add>, %get3A_12, %reduce_sum3A [0] : vector<2x1000x8xf32> to vector<1000x8xf32>
    %add3A_14 = arith.constant 1.000000e-16 : f32
    %add3A_15 = vector.broadcast %add3A_14 : f32 to vector<1000x8xf32>
    %add3A_16 = arith.addf %reduce_sum3A_13, %add3A_15 : vector<1000x8xf32>
    %iota3A = tpu.iota {dimensions = array<i32: 1>} : vector<8x128xi32>
    %jit3A = arith.constant 16 : i32
    %div3A = vector.broadcast %jit3A : i32 to vector<8x128xi32>
    %div3A_17 = arith.divsi %iota3A, %div3A : vector<8x128xi32>
    %sign3A = arith.constant 0 : i32
    %sign3A_18 = vector.broadcast %sign3A : i32 to vector<8x128xi32>
    %sign3A_19 = arith.cmpi sgt, %iota3A, %sign3A_18 : vector<8x128xi32>
    %sign3A_20 = arith.extui %sign3A_19 : vector<8x128xi1> to vector<8x128xi32>
    %sign3A_21 = arith.constant 0 : i32
    %sign3A_22 = vector.broadcast %sign3A_21 : i32 to vector<8x128xi32>
    %sign3A_23 = arith.cmpi slt, %iota3A, %sign3A_22 : vector<8x128xi32>
    %sign3A_24 = arith.extui %sign3A_23 : vector<8x128xi1> to vector<8x128xi32>
    %sign3A_25 = arith.subi %sign3A_20, %sign3A_24 : vector<8x128xi32>
    %sign3A_26 = arith.constant 0 : i32
    %sign3A_27 = arith.cmpi sgt, %jit3A, %sign3A_26 : i32
    %sign3A_28 = arith.extui %sign3A_27 : i1 to i32
    %sign3A_29 = arith.constant 0 : i32
    %sign3A_30 = arith.cmpi slt, %jit3A, %sign3A_29 : i32
    %sign3A_31 = arith.extui %sign3A_30 : i1 to i32
    %sign3A_32 = arith.subi %sign3A_28, %sign3A_31 : i32
    %ne3A = vector.broadcast %sign3A_32 : i32 to vector<8x128xi32>
    %ne3A_33 = arith.cmpi ne, %sign3A_25, %ne3A : vector<8x128xi32>
    %rem3A = vector.broadcast %jit3A : i32 to vector<8x128xi32>
    %rem3A_34 = arith.remsi %iota3A, %rem3A : vector<8x128xi32>
    %ne3A_35 = arith.constant 0 : i32
    %ne3A_36 = vector.broadcast %ne3A_35 : i32 to vector<8x128xi32>
    %ne3A_37 = arith.cmpi ne, %rem3A_34, %ne3A_36 : vector<8x128xi32>
    %and3A = arith.andi %ne3A_33, %ne3A_37 : vector<8x128xi1>
    %sub3A = arith.constant 1 : i32
    %sub3A_38 = vector.broadcast %sub3A : i32 to vector<8x128xi32>
    %sub3A_39 = arith.subi %div3A_17, %sub3A_38 : vector<8x128xi32>
    %select_n3A = arith.select %and3A, %sub3A_39, %div3A_17 : vector<8x128xi1>, vector<8x128xi32>
    %iota3A_40 = tpu.iota {dimensions = array<i32: 0>} : vector<8x128xi32>
    %eq3A = arith.cmpi eq, %select_n3A, %iota3A_40 : vector<8x128xi32>
    %convert_element_type3A = arith.extui %eq3A : vector<8x128xi1> to vector<8x128xi32>
    %convert_element_type3A_41 = arith.sitofp %convert_element_type3A : vector<8x128xi32> to vector<8x128xf32>
    %dot_general3A = arith.constant dense<0.000000e+00> : vector<1000x128xf32>
    %dot_general3A_42 = tpu.matmul %add3A_16, %convert_element_type3A_41, %dot_general3A {dimension_numbers = #tpu.dot_dimension_numbers<[1], [0], [0], [1], [0, 0, 1, 1], [], []>, transpose_lhs_hint = false} : vector<1000x8xf32>, vector<8x128xf32>, vector<1000x128xf32> -> vector<1000x128xf32>
    %div3A_43 = arith.divf %add3A, %dot_general3A_42 : vector<1000x128xf32>
    %swap3A = arith.constant 0 : index
    %swap3A_44 = arith.constant 0 : index
    %swap3A_45 = vector.load %arg3[%swap3A, %swap3A_44] : memref<1000x128xf32, #tpu.memory_space<vmem>>, vector<1000x128xf32>
    tpu.vector_store %arg3[%swap3A, %swap3A_44], %div3A_43 {strides = array<i32>} : memref<1000x128xf32, #tpu.memory_space<vmem>>, vector<1000x128xf32>,
    return
  }
  func.func @transform_0(%arg0: i32) -> (i32, i32, i32) {
    %c0_i32 = arith.constant 0 : i32
    %c0_i32_0 = arith.constant 0 : i32
    %c0_i32_1 = arith.constant 0 : i32
    return %c0_i32, %arg0, %c0_i32_0 : i32, i32, i32
  }
  func.func @transform_1(%arg0: i32) -> (i32, i32, i32) {
    %c0_i32 = arith.constant 0 : i32
    %c0_i32_0 = arith.constant 0 : i32
    %c0_i32_1 = arith.constant 0 : i32
    return %c0_i32, %arg0, %c0_i32_0 : i32, i32, i32
  }
  func.func @transform_2(%arg0: i32) -> (i32, i32) {
    %c0_i32 = arith.constant 0 : i32
    %c0_i32_0 = arith.constant 0 : i32
    return %arg0, %c0_i32 : i32, i32
  }
}

</mosaic_0001>

<sc_bundles>
// kernel: kernel.6.cloned.1.call-start
scs
__scs_entry_jumppad:
0x0: {  	(pc) =	sbr.rel $0x88, $3  }
0x1: {  	(tag) =	ssettag $0x0;
	lr =	simm.s32 $0x1  }
0x2: {  	[smem:$0x3F98] =	sst lr;
	_ =	strace $0xD0000000  }
0x3: {  	_ = 	snop  }
0x4: {  	_ = 	snop  }
0x5: {  	_ = 	snop  }
0x6: {  	_ = 	snop  }
0x7: {  	_ = 	snop  }
__scs_overlays_trampoline_lowered:
0x8: {  	[smem:$0x3FA7] =	sst s0  }
0x9: {  	[smem:$0x3FA8] =	sst s1  }
0xa: {  	[smem:$0x3FA9] =	sst s2  }
0xb: {  	[smem:$0x3FAA] =	sst s3  }
0xc: {  	[smem:$0x3FAB] =	sst s4  }
0xd: {  	[smem:$0x3FAC] =	sst s5  }
0xe: {  	[smem:$0x3FAD] =	sst s6  }
0xf: {  	[smem:$0x3FAE] =	sst s7  }
0x10: {  	[smem:$0x3FAF] =	sst s8  }
0x11: {  	[smem:$0x3FB0] =	sst s9;
	s0 =	simm.s32 @!p0 $0x0  }
0x12: {  	s1 =	sld [smem:$0x3F96];
	s0 =	simm.s32 @p0 $0x1  }
0x13: {  	[smem:$0x3FB1] =	sst s0;
	s0 =	simm.s32 @!p1 $0x0  }
0x14: {  	s2 =	sld [smem:$0x3F95];
	s0 =	simm.s32 @p1 $0x1  }
0x15: {  	[smem:$0x3FB2] =	sst s0;
	s0 =	simm.s32 @!p2 $0x0  }
0x16: {  	s3 =	sld [smem:$0x3FDB];
	s0 =	simm.s32 @p2 $0x1  }
0x17: {  	s4 =	simm.s32 $0x1BF5;
	[smem:$0x3FB4] =	sst s0  }
0x18: {  	s0 =	sld [smem:$0x3F97];
	_ =	swait.ge [sflag:s4], $0x0  }
0x19: {  	s7 =	sld [smem:$0x3F98]  }
0x1a: {  	s8 =	sadd.s32 $0xFFFFE003, lr  }
0x1b: {  	s9 =	sadd.s32 $0xFFFFFEF7, lr;
	s5 =	simm.s32 $0xFFFFFFFF;
	p2 =	slt.u32 s8, $0xFFFFF086  }
0x1c: {  	p1 =	slt.u32 s9, $0xF7A;
	s5 =	simm.s32 @!p2 $0x0  }
0x1d: {  	s5 =	simm.s32 @p1 $0x1;
	p0 =	seq.s32 s7, s2  }
0x1e: {  	s7 =	smul.u32 @!p0 $0xF7A, s2;
	p2 =	seq.s32 @!p0 s5, $0x0  }
0x1f: {  	s9 =	smul.u32 $0xF7A, s1;
	s8 =	simm.s32 @!p0 $0x1BF5;
	p2 =	por !p2, p0  }
0x20: {  	[sflag:s8] =	ssyncset.s32 @!p0 $0xFFFFF086;
	s6 =	sadd.s32 @!p0 s3, s7;
	s7 =	simm.s32 @!p0 $0x108  }
0x21: {  	s3 =	sadd.s32 s3, s9;
	s6 =	sadd.s32 @!p0 $0x88, s6;
	s7 =	simm.s32 @p2 $0x1082  }
0x22: {  	[simem:s7], [sflag:s8] =	dma.local @!p0 [hbm:s6], $0xF7A  }
0x23: {  	s9 =	sor.u32 $0xD0000000, s2;
	s6 =	simm.s32 $0x108;
	_ =	swait.ge @!p0 [sflag:s8], $0x0  }
0x24: {  	s3 =	sadd.s32 $0x88, s3;
	s6 =	simm.s32 @!p1 $0x1082;
	[sflag:s4] =	ssyncset.s32 $0xFFFFF086  }
0x25: {  	[simem:s6], [sflag:s4] =	dma.local [hbm:s3], $0xF7A  }
0x26: {  	[smem:$0x3F98] =	sst s1;
	(tag) =	ssettag s2;
	_ =	strace s9  }
0x27: {  	s1 =	sld [smem:$0x3FA8]  }
0x28: {  	s2 =	sld [smem:$0x3FA9]  }
0x29: {  	s4 =	sld [smem:$0x3FAB]  }
0x2a: {  	p0 =	seq.s32 s5, $0x0;
	s5 =	sld [smem:$0x3FAC]  }
0x2b: {  	s6 =	sld [smem:$0x3FAD]  }
0x2c: {  	s7 =	sld [smem:$0x3FAE]  }
0x2d: {  	s3 =	simm.s32 $0x108;
	s8 =	sld [smem:$0x3FAF]  }
0x2e: {  	s3 =	simm.s32 @!p0 $0x1082;
	s9 =	sld [smem:$0x3FB0]  }
0x2f: {  	lr =	sadd.s32 s0, s3;
	s0 =	sld [smem:$0x3FA7]  }
0x30: {  	s3 =	sld [smem:$0x3FAA]  }
0x31: {  	[smem:$0x3FB3] =	sst s10  }
0x32: {  	s10 =	sld [smem:$0x3FB1];
	_ =	sdelay $0x3  }
0x33: {  	p0 =	seq.s32 s10, $0x1;
	s10 =	sld [smem:$0x3FB3];
	_ =	sdelay $0x3  }
0x34: {  	[smem:$0x3FB3] =	sst s10  }
0x35: {  	s10 =	sld [smem:$0x3FB2];
	_ =	sdelay $0x3  }
0x36: {  	p1 =	seq.s32 s10, $0x1;
	s10 =	sld [smem:$0x3FB3];
	_ =	sdelay $0x3  }
0x37: {  	[smem:$0x3FB3] =	sst s10  }
0x38: {  	s10 =	sld [smem:$0x3FB4]  }
0x39: {  	_ = 	snop;
	(pc) =	sbr.ind lr, $3  }
0x3a: {  	_ = 	snop  }
0x3b: {  	_ = 	snop  }
0x3c: {  	p2 =	seq.s32 s10, $0x1;
	s10 =	sld [smem:$0x3FB3]  }
0x3d: {  	_ =	shalt  }
0x3e: {  	_ =	shalt  }
0x3f: {  	_ =	shalt  }
0x40: {  	_ =	shalt  }
0x41: {  	_ =	shalt  }
0x42: {  	_ =	shalt  }
0x43: {  	_ =	shalt  }
0x44: {  	_ =	shalt  }
0x45: {  	_ =	shalt  }
0x46: {  	_ =	shalt  }
0x47: {  	_ =	shalt  }
0x48: {  	_ =	shalt  }
0x49: {  	_ =	shalt  }
0x4a: {  	_ =	shalt  }
0x4b: {  	_ =	shalt  }
0x4c: {  	_ =	shalt  }
0x4d: {  	_ =	shalt  }
0x4e: {  	_ =	shalt  }
0x4f: {  	_ =	shalt  }
0x50: {  	_ =	shalt  }
0x51: {  	_ =	shalt  }
0x52: {  	_ =	shalt  }
0x53: {  	_ =	shalt  }
0x54: {  	_ =	shalt  }
0x55: {  	_ =	shalt  }
0x56: {  	_ =	shalt  }
0x57: {  	_ =	shalt  }
0x58: {  	_ =	shalt  }
0x59: {  	_ =	shalt  }
0x5a: {  	_ =	shalt  }
0x5b: {  	_ =	shalt  }
0x5c: {  	_ =	shalt  }
0x5d: {  	_ =	shalt  }
0x5e: {  	_ =	shalt  }
0x5f: {  	_ =	shalt  }
0x60: {  	_ =	shalt  }
0x61: {  	_ =	shalt  }
0x62: {  	_ =	shalt  }
0x63: {  	_ =	shalt  }
0x64: {  	_ =	shalt  }
0x65: {  	_ =	shalt  }
0x66: {  	_ =	shalt  }
0x67: {  	_ =	shalt  }
0x68: {  	_ =	shalt  }
0x69: {  	_ =	shalt  }
0x6a: {  	_ =	shalt  }
0x6b: {  	_ =	shalt  }
0x6c: {  	_ =	shalt  }
0x6d: {  	_ =	shalt  }
0x6e: {  	_ =	shalt  }
0x6f: {  	_ =	shalt  }
0x70: {  	_ =	shalt  }
0x71: {  	_ =	shalt  }
0x72: {  	_ =	shalt  }
0x73: {  	_ =	shalt  }
0x74: {  	_ =	shalt  }
0x75: {  	_ =	shalt  }
0x76: {  	_ =	shalt  }
0x77: {  	_ =	shalt  }
0x78: {  	_ =	shalt  }
0x79: {  	_ =	shalt  }
0x7a: {  	_ =	shalt  }
0x7b: {  	_ =	shalt  }
0x7c: {  	_ =	shalt  }
0x7d: {  	_ =	shalt  }
0x7e: {  	_ =	shalt  }
0x7f: {  	_ =	shalt  }
0x80: {  	_ =	shalt  }
0x81: {  	_ =	shalt  }
0x82: {  	_ =	shalt  }
0x83: {  	_ =	shalt  }
0x84: {  	_ =	shalt  }
0x85: {  	_ =	shalt  }
0x86: {  	_ =	shalt  }
0x87: {  	_ =	shalt  }
.Lfunc_end0:
.L_simem_size_0:
called_computation_lowered:
.L_overlay_start_0:
0x88: {  	s2 =	sld [smem:$0x3FD9]  }
0x89: {  	s3 =	sld [smem:$0x3FFE];
	_ =	sdelay $0x1  }
0x8a: {  	s1 =	srdreg.scid  }
0x8b: {  	s0 =	sand.u32 $0x1, s1  }
0x8c: {  	s14 =	sshll.u32 s0, $0xA;
	s2 =	sadd.s32 s3, s2  }
0x8d: {  	s2 =	sadd.s32 s2, s14  }
0x8e: {  	[smem:$0x3FBF] =	sst s2  }
0x8f: {  	_ = 	snop  }
0x90: {  	s2 =	sld [smem:$0x3FD0];
	_ =	sdelay $0x2  }
0x91: {  	s15 =	simm.s32 $0xA;
	s4 =	simm.s32 $0x10  }
0x92: {  	[smem:s4], [sflag:s15] =	dma.local [hbm:s2], $0x1  }
0x93: {  	_ =	swait.eq [sflag:s15], $0x1  }
0x94: {  	[sflag:s15] =	ssyncset.done $0x0  }
0x95: {  	s16 =	sld [smem:$0x10];
	[sflag:s15] =	ssyncadd.s32 $0xFFFFFFFF  }
0x96: {  	s17 =	sld [smem:$0x11];
	(tm) =	ssettm $0x1  }
0x97: {  	s18 =	sld [smem:$0x3FFB];
	_ =	sdelay $0x3  }
0x98: {  	_ =	strace s18  }
0x99: {  	s4 =	sld [smem:$0x3FFC];
	_ =	sdelay $0x3  }
0x9a: {  	_ =	strace s4  }
0x9b: {  	s4 =	sld [smem:$0x3FFD];
	_ =	sdelay $0x3  }
0x9c: {  	_ =	strace s4  }
0x9d: {  	_ =	strace $0x8FFFFFFF  }
0x9e: {  	s19 =	sld [smem:$0x3FDB];
	_ =	sdelay $0x1  }
0x9f: {  	s5 =	simm.s32 $_scs_section_size  }
0xa0: {  	s6 =	simm.s32 $_size__tile_overlayer_lowered;
	s7 =	simm.s32 $_tile_overlayer_lowered  }
0xa1: {  	s22 =	simm.s32 $0x1BFF;
	s21 =	sshll.u32 s7, $0x1;
	s4 =	sadd.s32 s5, s19  }
0xa2: {  	s8 =	simm.s32 $0x0;
	s20 =	sshll.u32 s6, $0x1;
	s6 =	sadd.s32 s21, s4  }
0xa3: {  	[timem:s8], [sflag:s22] =	dma.local [hbm:s6], s20  }
0xa4: {  	_ =	swait.ge [sflag:s22], s20  }
0xa5: {  	s5 =	ssub.s32 $0x0, s20;
	[sflag:s22] =	ssyncset.done $0x0  }
0xa6: {  	[sflag:s22] =	ssyncadd.s32 s5;
	_ =	sdelay $0x1  }
0xa7: {  	s23 =	simm.s32 $0x1B8B  }
0xa8: {  	_ =	swait.ge [sflag:s23], $0x1  }
0xa9: {  	[sflag:s23] =	ssyncset.done $0x0  }
0xaa: {  	s25 =	simm.s32 $0x1B8E;
	s24 =	sld [smem:$0x3FFE];
	[sflag:s23] =	ssyncadd.s32 $0xFFFFFFFF  }
0xab: {  	s26 =	simm.s32 $execute0_lowered;
	[smem:$0x3FD2] =	sst s25  }
0xac: {  	s6 =	sshll.u32 s26, $0x1;
	_ =	strace $0x80000046;
	[dreg:$0x1] =	wrdreg $0xFFFFFFFF  }
0xad: {  	s28 =	simm.s32 $_size_execute0_lowered;
	s4 =	sadd.s32 s4, s6;
	[dreg:$0x0] =	wrdreg $0x0  }
0xae: {  	s6 =	sshll.u32 s28, $0x1;
	[dreg:$0x2] =	wrdreg s4  }
0xaf: {  	[dreg:$0x3] =	wrdreg s6  }
0xb0: {  	[dreg:$0x4] =	wrdreg $0xC0  }
0xb1: {  	_ =	task [dreg:s8], $0x5FFFF  }
0xb2: {  	[dreg:$0x1] =	wrdreg $0xFFFFFFFF  }
0xb3: {  	[dreg:$0x0] =	wrdreg $0x60  }
0xb4: {  	[dreg:$0x2] =	wrdreg s24  }
0xb5: {  	[dreg:$0x3] =	wrdreg s16  }
0xb6: {  	[dreg:$0x4] =	wrdreg s17  }
0xb7: {  	[dreg:$0x5] =	wrdreg $0x0  }
0xb8: {  	[dreg:$0x6] =	wrdreg $0x140000  }
0xb9: {  	[dreg:$0x7] =	wrdreg $0x9  }
0xba: {  	_ =	task.clear_ibuf [dreg:s8], $0x8FFFF;
	_ =	strace $0x90000046  }
0xbb: {  	s29 =	simm.s32 $0x9;
	_ =	strace $0x80000048  }
0xbc: {  	_ =	swait.ge [sflag:s29], $0x1  }
0xbd: {  	[sflag:s29] =	ssyncadd.s32 $0xFFFFFFFF  }
0xbe: {  	_ =	strace $0x90000048  }
0xbf: {  	_ =	sfence  }
0xc0: {  	s30 =	sld [smem:$0x0];
	_ =	sdelay $0x2  }
0xc1: {  	s31 =	sshll.u32 s1, $0xD;
	s1 =	sshrl.u32 s1, $0x2  }
0xc2: {  	s3 =	sand.u32 $0x4000, s31;
	s1 =	sadd.s32 s1, s30  }
0xc3: {  	s0 =	sor.u32 s3, s0;
	s1 =	sshll.u32 s1, $0x11  }
0xc4: {  	s0 =	sor.u32 s1, s0  }
0xc5: {  	s0 =	sadd.s32 $0x8F2B, s0  }
0xc6: {  	[sflag:s0] =	ssyncadd.remote.s32 $0x1  }
0xc7: {  	_ =	sfence.sel $0xFFFF  }
0xc8: {  	[dreg:$0x0] =	wrdreg $0xFFFFFFFF;
	(pc) =	sbr.abs _section_cstart, $3  }
0xc9: {  	[dreg:$0x1] =	wrdreg $0xFFFFFFFF  }
0xca: {  	_ =	task.clear_ibuf [dreg:s8], $0x2FFFF;
	_ =	strace $0x9FFFFFFF  }
0xcb: {  	(tm) =	ssettm $0x7FFFFFFF  }
tec
execute0_lowered:
.L_overlay_start_1:
0x0: {  	(tag) =	ssettag $0x1  }
0x1: {  	s0 =	rddreg [dreg:$0x0]  }
0x2: {  	s13 =	rddreg [dreg:$0x3]  }
0x3: {  	s14 =	rddreg [dreg:$0x4];
	s12 =	stileid.u32  }
0x4: {  	s1 =	srdreg.scid;
	s2 =	smul.u32 $0x2800, s12  }
0x5: {  	s3 =	simm.s32 $0x0;
	s1 =	sand.u32 $0x1, s1;
	s4 =	smul.u32 $0x280, s12  }
0x6: {  	s28 =	simm.s32 $0x3;
	s24 =	smul.u32 $0x50000, s12;
	s25 =	ssub.s32 $0x2, s1  }
0x7: {  	[smem:$0x7FF] =	sst s3;
	s5 =	smul.u32 $0x2800, s1;
	s26 =	sshrl.u32 s25, $0x1  }
0x8: {  	s7 =	sadd.s32 $0xB600, s0;
	s8 =	sadd.s32 $0x1800, s0;
	s3 =	ssub.s32 s25, s26  }
0x9: {  	s23 =	sadd.s32 s4, s5;
	s4 =	sshrl.u32 s24, $0x2;
	s20 =	smax.u32 s3, $0x1  }
0xa: {  	_ =	strace $0x80000047;
	s5 =	sadd.s32 s4, s13;
	[dreg:$0x12] =	wrdreg s20  }
0xb: {  	s9 =	sadd.s32 $0x15400, s0;
	s4 =	sadd.s32 $0x1400, s5;
	[dreg:$0x6] =	wrdreg s5  }
0xc: {  	s6 =	sshll.u32 s12, $0x1;
	s30 =	sadd.s32 $0x2800, s5;
	[dreg:$0x7] =	wrdreg s4  }
0xd: {  	s31 =	smul.u32 $0x5000, s12;
	s12 =	sadd.s32 $0x3C00, s5;
	[dreg:$0x8] =	wrdreg s30  }
0xe: {  	s10 =	sadd.s32 $0x3C600, s0;
	s13 =	sadd.s32 $0x5000, s5;
	[dreg:$0x9] =	wrdreg s12  }
0xf: {  	s22 =	smul.u32 $0x28000, s1;
	s15 =	sadd.s32 $0x6400, s5;
	[dreg:$0xa] =	wrdreg s13  }
0x10: {  	s11 =	sadd.s32 $0x63800, s0;
	s16 =	sadd.s32 $0x7800, s5;
	[dreg:$0xb] =	wrdreg s15  }
0x11: {  	s2 =	sadd.s32 s2, s22;
	s17 =	sadd.s32 $0x8C00, s5;
	[dreg:$0xc] =	wrdreg s16  }
0x12: {  	s2 =	sadd.s32 s2, s0;
	s18 =	sadd.s32 $0xA000, s5;
	[dreg:$0xd] =	wrdreg s17  }
0x13: {  	s0 =	sadd.s32 s23, s0;
	s19 =	sadd.s32 $0x54A800, s2;
	[dreg:$0xe] =	wrdreg s18  }
0x14: {  	s29 =	simm.s32 $0x15580;
	s0 =	sadd.s32 $0x545800, s0;
	[dreg:$0x10] =	wrdreg s19  }
0x15: {  	s1 =	sor.u32 s1, s6;
	s21 =	sadd.s32 $0xB400, s5;
	[dreg:$0x11] =	wrdreg s0  }
0x16: {  	s22 =	smul.u32 $0x2710, s1;
	s23 =	sadd.s32 $0xC800, s5;
	[dreg:$0x13] =	wrdreg s21  }
0x17: {  	s1 =	simm.s32 $0x0;
	s24 =	sadd.s32 $0xDC00, s5;
	[dreg:$0x14] =	wrdreg s23  }
0x18: {  	v0 =	vimm.f32 $0.0e+00;
	v1 =	vlaneseq.u32;
	s3 =	simm.s32 $0x0;
	s25 =	sadd.s32 $0xF000, s5;
	[dreg:$0x15] =	wrdreg s24  }
0x19: {  	vm0 =	vmmov $0x1;
	vm1 =	vmmov $0xff;
	vm2 =	vcmask $0x320;
	s26 =	sadd.s32 $0x10400, s5;
	s4 =	sshrl.u32 s31, $0x2;
	[dreg:$0x16] =	wrdreg s25  }
0x1a: {  	vm3 =	vmmov $0x1ff;
	vm4 =	vcmask $0x720;
	vm5 =	vmmov $0x3ff;
	[dreg:$0x17] =	wrdreg s26;
	s30 =	sadd.s32 $0x11800, s5;
	s31 =	sadd.s32 $0x12C00, s5  }
0x1b: {  	vm6 =	vcmask $0xB20;
	vm7 =	vmmov $0x7ff;
	vm8 =	vcmask $0xF20;
	s13 =	simm.s32 $0x1BA00;
	s15 =	simm.s32 $0x15400;
	s16 =	simm.s32 $0x15480  }
0x1c: {  	vm9 =	vmmov $0xfff;
	vm10 =	vcmask $0x1320;
	vm11 =	vmmov $0x1fff;
	s17 =	simm.s32 $0x4;
	s18 =	simm.s32 $0x28;
	[dreg:$0x18] =	wrdreg s30  }
0x1d: {  	vm12 =	vcmask $0x1720;
	vm13 =	vmmov $0x3fff;
	vm14 =	vcmask $0x1B20;
	s25 =	simm.s32 $0x1;
	s4 =	sadd.s32 s4, s14;
	[dreg:$0x19] =	wrdreg s31  }
0x1e: {  	vm15 =	vmmov $0x7fff;
	v2 =	vor.u32 $0x10, v1;
	v3 =	vor.u32 $0x20, v1;
	s26 =	simm.s32 $0x2;
	s14 =	simm.s32 $0x5;
	[dreg:$0xf] =	wrdreg s4  }
.LBB2_1:
0x1f: {  	[dreg:$0x1a] =	wrdreg s1;
	s0 =	simm.s32 $0x0;
	s1 =	simm.s32 $0x200  }
.LBB2_2:
0x20: {  	p0 =	sne.s32 s1, $0x4E00;
	[tilespmem:s0+$0x1BA70] =	vst v0  }
0x21: {  	[tilespmem:s0+$0x1BA00] =	vst v0  }
0x22: {  	[tilespmem:s0+$0x1BA10] =	vst v0  }
.Ltmp0:
0x23: {  	[tilespmem:s0+$0x1BA20] =	vst v0;
	(pc) =	sbr.rel @p0 .LBB2_2-.Ltmp0, $4  }
0x24: {  	[tilespmem:s0+$0x1BA30] =	vst v0  }
0x25: {  	[tilespmem:s0+$0x1BA40] =	vst v0  }
0x26: {  	[tilespmem:s0+$0x1BA50] =	vst v0  }
0x27: {  	[tilespmem:s0+$0x1BA60] =	vst v0;
	s0 =	sshra.s32 s1, $0x2;
	s1 =	sadd.s32 $0x200, s1  }
0x28: {  	[tilespmem:s0+$0x1BA70] =	vst v0  }
0x29: {  	[tilespmem:s0+$0x1BA00] =	vst v0  }
0x2a: {  	[tilespmem:s0+$0x1BA10] =	vst v0  }
0x2b: {  	[tilespmem:s0+$0x1BA20] =	vst v0  }
0x2c: {  	[tilespmem:s0+$0x1BA30] =	vst v0  }
0x2d: {  	[tilespmem:s0+$0x1BA40] =	vst v0  }
0x2e: {  	[tilespmem:s0+$0x1BA50] =	vst v0  }
0x2f: {  	[tilespmem:s0+$0x1BA60] =	vst v0  }
0x30: {  	[spmem:s5] =	stream.linear.scatter [tilespmem:s13], [sflag:$0x5], $0x1400, $0x38;
	[tilespmem:$0x1E200] =	vst v63  }
0x31: {  	_ =	swait.ge [sflag:s14], $0x1400  }
0x32: {  	[sflag:s14] =	ssyncset.done $0x0  }
0x33: {  	s24 =	rddreg [dreg:$0x7];
	[sflag:s14] =	ssyncadd.s32 $0xFFFFEC00  }
0x34: {  	[spmem:s24] =	stream.linear.scatter [tilespmem:s13], [sflag:$0x5], $0x1400, $0x38;
	[tilespmem:$0x1E200] =	vst v63  }
0x35: {  	_ =	swait.ge [sflag:s14], $0x1400  }
0x36: {  	[sflag:s14] =	ssyncset.done $0x0  }
0x37: {  	s30 =	rddreg [dreg:$0x8];
	[sflag:s14] =	ssyncadd.s32 $0xFFFFEC00  }
0x38: {  	[spmem:s30] =	stream.linear.scatter [tilespmem:s13], [sflag:$0x5], $0x1400, $0x38;
	[tilespmem:$0x1E200] =	vst v63  }
0x39: {  	_ =	swait.ge [sflag:s14], $0x1400  }
0x3a: {  	[sflag:s14] =	ssyncset.done $0x0  }
0x3b: {  	s31 =	rddreg [dreg:$0x9];
	[sflag:s14] =	ssyncadd.s32 $0xFFFFEC00  }
0x3c: {  	[spmem:s31] =	stream.linear.scatter [tilespmem:s13], [sflag:$0x5], $0x1400, $0x38;
	[tilespmem:$0x1E200] =	vst v63  }
0x3d: {  	_ =	swait.ge [sflag:s14], $0x1400  }
0x3e: {  	[sflag:s14] =	ssyncset.done $0x0  }
0x3f: {  	s1 =	rddreg [dreg:$0xa];
	[sflag:s14] =	ssyncadd.s32 $0xFFFFEC00  }
0x40: {  	[spmem:s1] =	stream.linear.scatter [tilespmem:s13], [sflag:$0x5], $0x1400, $0x38;
	[tilespmem:$0x1E200] =	vst v63  }
0x41: {  	_ =	swait.ge [sflag:s14], $0x1400  }
0x42: {  	[sflag:s14] =	ssyncset.done $0x0  }
0x43: {  	s2 =	rddreg [dreg:$0xb];
	[sflag:s14] =	ssyncadd.s32 $0xFFFFEC00  }
0x44: {  	[spmem:s2] =	stream.linear.scatter [tilespmem:s13], [sflag:$0x5], $0x1400, $0x38;
	[tilespmem:$0x1E200] =	vst v63  }
0x45: {  	_ =	swait.ge [sflag:s14], $0x1400  }
0x46: {  	[sflag:s14] =	ssyncset.done $0x0  }
0x47: {  	s5 =	rddreg [dreg:$0xc];
	[sflag:s14] =	ssyncadd.s32 $0xFFFFEC00  }
0x48: {  	[spmem:s5] =	stream.linear.scatter [tilespmem:s13], [sflag:$0x5], $0x1400, $0x38;
	[tilespmem:$0x1E200] =	vst v63  }
0x49: {  	_ =	swait.ge [sflag:s14], $0x1400  }
0x4a: {  	[sflag:s14] =	ssyncset.done $0x0  }
0x4b: {  	s6 =	rddreg [dreg:$0xd];
	[sflag:s14] =	ssyncadd.s32 $0xFFFFEC00  }
0x4c: {  	[spmem:s6] =	stream.linear.scatter [tilespmem:s13], [sflag:$0x5], $0x1400, $0x38;
	[tilespmem:$0x1E200] =	vst v63  }
0x4d: {  	_ =	swait.ge [sflag:s14], $0x1400  }
0x4e: {  	[sflag:s14] =	ssyncset.done $0x0  }
0x4f: {  	s12 =	rddreg [dreg:$0xe];
	[sflag:s14] =	ssyncadd.s32 $0xFFFFEC00  }
0x50: {  	[spmem:s12] =	stream.linear.scatter [tilespmem:s13], [sflag:$0x5], $0x1400, $0x38;
	[tilespmem:$0x1E200] =	vst v63  }
0x51: {  	_ =	swait.ge [sflag:s14], $0x1400  }
0x52: {  	[sflag:s14] =	ssyncset.done $0x0  }
0x53: {  	s19 =	rddreg [dreg:$0x13];
	[sflag:s14] =	ssyncadd.s32 $0xFFFFEC00  }
0x54: {  	[spmem:s19] =	stream.linear.scatter [tilespmem:s13], [sflag:$0x5], $0x1400, $0x38;
	[tilespmem:$0x1E200] =	vst v63  }
0x55: {  	_ =	swait.ge [sflag:s14], $0x1400  }
0x56: {  	[sflag:s14] =	ssyncset.done $0x0  }
0x57: {  	s20 =	rddreg [dreg:$0x14];
	[sflag:s14] =	ssyncadd.s32 $0xFFFFEC00  }
0x58: {  	[spmem:s20] =	stream.linear.scatter [tilespmem:s13], [sflag:$0x5], $0x1400, $0x38;
	[tilespmem:$0x1E200] =	vst v63  }
0x59: {  	_ =	swait.ge [sflag:s14], $0x1400  }
0x5a: {  	[sflag:s14] =	ssyncset.done $0x0  }
0x5b: {  	s21 =	rddreg [dreg:$0x15];
	[sflag:s14] =	ssyncadd.s32 $0xFFFFEC00  }
0x5c: {  	[spmem:s21] =	stream.linear.scatter [tilespmem:s13], [sflag:$0x5], $0x1400, $0x38;
	[tilespmem:$0x1E200] =	vst v63  }
0x5d: {  	_ =	swait.ge [sflag:s14], $0x1400  }
0x5e: {  	[sflag:s14] =	ssyncset.done $0x0  }
0x5f: {  	s23 =	rddreg [dreg:$0x16];
	[sflag:s14] =	ssyncadd.s32 $0xFFFFEC00  }
0x60: {  	[spmem:s23] =	stream.linear.scatter [tilespmem:s13], [sflag:$0x5], $0x1400, $0x38;
	[tilespmem:$0x1E200] =	vst v63  }
0x61: {  	_ =	swait.ge [sflag:s14], $0x1400  }
0x62: {  	[sflag:s14] =	ssyncset.done $0x0  }
0x63: {  	s24 =	rddreg [dreg:$0x17];
	[sflag:s14] =	ssyncadd.s32 $0xFFFFEC00  }
0x64: {  	[spmem:s24] =	stream.linear.scatter [tilespmem:s13], [sflag:$0x5], $0x1400, $0x38;
	[tilespmem:$0x1E200] =	vst v63  }
0x65: {  	_ =	swait.ge [sflag:s14], $0x1400  }
0x66: {  	[sflag:s14] =	ssyncset.done $0x0  }
0x67: {  	s30 =	rddreg [dreg:$0x18];
	[sflag:s14] =	ssyncadd.s32 $0xFFFFEC00  }
0x68: {  	[spmem:s30] =	stream.linear.scatter [tilespmem:s13], [sflag:$0x5], $0x1400, $0x38;
	[tilespmem:$0x1E200] =	vst v63  }
0x69: {  	_ =	swait.ge [sflag:s14], $0x1400  }
0x6a: {  	[sflag:s14] =	ssyncset.done $0x0  }
0x6b: {  	s31 =	rddreg [dreg:$0x19];
	[sflag:s14] =	ssyncadd.s32 $0xFFFFEC00  }
0x6c: {  	[spmem:s31] =	stream.linear.scatter [tilespmem:s13], [sflag:$0x5], $0x1400, $0x38;
	[tilespmem:$0x1E200] =	vst v63  }
0x6d: {  	_ =	swait.ge [sflag:s14], $0x1400  }
0x6e: {  	[sflag:s14] =	ssyncset.done $0x0  }
0x6f: {  	[sflag:s14] =	ssyncadd.s32 $0xFFFFEC00  }
0x70: {  	[spmem:s4] =	stream.linear.scatter [tilespmem:s13], [sflag:$0x5], $0x1400, $0x38;
	[tilespmem:$0x1E200] =	vst v63  }
0x71: {  	_ =	swait.ge [sflag:s14], $0x1400  }
0x72: {  	[sflag:s14] =	ssyncset.done $0x0  }
0x73: {  	[sflag:s14] =	ssyncadd.s32 $0xFFFFEC00  }
0x74: {  	s21 =	simm.s32 $0x0;
	[bflag:$0x0] =	sbarrier.arrive $0xFFFF  }
.LBB2_4:
0x75: {  	s0 =	smul.u32 $0x28, s21;
	_ =	sdelay $0x1  }
0x76: {  	s0 =	sadd.s32 s22, s0  }
0x77: {  	s1 =	sshrl.u32 s0, $0x3  }
0x78: {  	s2 =	sadd.s32 s7, s1  }
0x79: {  	[tilespmem:s15], [sflag:$0x4] =	stream.linear.gather [hbm4b:s2+s3], $0x28, $0x38;
	[tilespmem:$0x1E200] =	vst v63  }
0x7a: {  	s1 =	sadd.s32 s8, s1  }
0x7b: {  	[tilespmem:s16], [sflag:$0x4] =	stream.linear.gather [hbm4b:s1+s3], $0x28, $0x38;
	[tilespmem:$0x1E200] =	vst v63  }
0x7c: {  	s2 =	simm.s32 $0x15500  }
0x7d: {  	[tilespmem:s2], [sflag:$0x4] =	stream.linear.gather [hbm4b:s1+s3], $0x28, $0x38;
	[tilespmem:$0x1E200] =	vst v63  }
0x7e: {  	_ =	swait.ge [sflag:s17], $0x28  }
0x7f: {  	[sflag:s17] =	ssyncset.done $0x0  }
0x80: {  	[sflag:s17] =	ssyncadd.s32 $0xFFFFFFD8  }
0x81: {  	_ =	swait.ge [sflag:s17], $0x28  }
0x82: {  	[sflag:s17] =	ssyncset.done $0x0  }
0x83: {  	[sflag:s17] =	ssyncadd.s32 $0xFFFFFFD8  }
0x84: {  	_ =	swait.ge [sflag:s17], $0x28  }
0x85: {  	[sflag:s17] =	ssyncset.done $0x0  }
0x86: {  	[sflag:s17] =	ssyncadd.s32 $0xFFFFFFD8  }
0x87: {  	s4 =	simm.s32 $0x15600;
	s12 =	rddreg [dreg:$0x1]  }
0x88: {  	[tilespmem:s4], [sflag:$0x1] =	stream.indirect.gather [hbm4b:s12+s18], $0x80, s15, s18, $0xb8;
	[tilespmem:$0x1E200] =	vst v63  }
0x89: {  	s19 =	simm.s32 $0x16A00  }
0x8a: {  	[tilespmem:s19], [sflag:$0x2] =	stream.indirect.gather [hbm4b:s9+s18], $0x80, s16, s18, $0xb8;
	[tilespmem:$0x1E200] =	vst v63  }
0x8b: {  	s20 =	simm.s32 $0x17E00;
	s12 =	sshll.u32 s0, $0x4  }
0x8c: {  	[tilespmem:s20], [sflag:$0x3] =	stream.indirect.gather [hbm4b:s10+s18], $0x80, s15, s18, $0xb8;
	[tilespmem:$0x1E200] =	vst v63  }
0x8d: {  	s23 =	simm.s32 $0x19200;
	s0 =	sadd.s32 s11, s12  }
0x8e: {  	[tilespmem:s23], [sflag:$0x4] =	stream.linear.gather [hbm4b:s0+s3], $0x1400, $0x38;
	[tilespmem:$0x1E200] =	vst v63  }
0x8f: {  	_ =	swait.ge [sflag:s25], $0x1400  }
0x90: {  	[sflag:s25] =	ssyncset.done $0x0  }
0x91: {  	[sflag:s25] =	ssyncadd.s32 $0xFFFFEC00  }
0x92: {  	_ =	swait.ge [sflag:s26], $0x1400  }
0x93: {  	[sflag:s26] =	ssyncset.done $0x0  }
0x94: {  	[sflag:s26] =	ssyncadd.s32 $0xFFFFEC00  }
0x95: {  	_ =	swait.ge [sflag:s28], $0x1400  }
0x96: {  	[sflag:s28] =	ssyncset.done $0x0  }
0x97: {  	[sflag:s28] =	ssyncadd.s32 $0xFFFFEC00  }
0x98: {  	_ =	swait.ge [sflag:s17], $0x1400  }
0x99: {  	[sflag:s17] =	ssyncset.done $0x0  }
0x9a: {  	[sflag:s17] =	ssyncadd.s32 $0xFFFFEC00  }
0x9b: {  	v5 =	vld [tilespmem:$0x15500]  }
0x9c: {  	s1 =	simm.s32 $0x0;
	v6 =	vld [tilespmem:$0x15510]  }
0x9d: {  	v4 =	vld [tilespmem:s1+$0x19260]  }
0x9e: {  	v7 =	vld [tilespmem:s1+$0x19230]  }
0x9f: {  	v8 =	vld [tilespmem:s1+$0x16A60]  }
0xa0: {  	v12 =	vld [tilespmem:s1+$0x16A50]  }
0xa1: {  	v10 =	vld [tilespmem:s1+$0x15630]  }
0xa2: {  	v9 =	vld [tilespmem:s1+$0x15660]  }
0xa3: {  	v11 =	vld [tilespmem:s1+$0x16A30]  }
0xa4: {  	v13 =	vld [tilespmem:s1+$0x15620]  }
0xa5: {  	v15 =	vld [tilespmem:s1+$0x15640]  }
0xa6: {  	v16 =	vld [tilespmem:s1+$0x16A40]  }
0xa7: {  	v17 =	vld [tilespmem:s1+$0x16A20]  }
0xa8: {  	v18 =	vld [tilespmem:s1+$0x19240];
	v8 =	vmul.f32 v8, v9  }
0xa9: {  	v19 =	vld [tilespmem:s1+$0x19220]  }
0xaa: {  	v20 =	vld [tilespmem:s1+$0x16A10];
	v9 =	vmul.f32 v4, v8  }
0xab: {  	v4 =	vmul.f32 v11, v10;
	v11 =	vld [tilespmem:s1+$0x15610]  }
0xac: {  	v8 =	vmul.f32 v16, v15;
	v15 =	vld [tilespmem:s1+$0x15600];
	(xrf2) =	vadd.scan.msk.f32 $0xffff, v9  }
0xad: {  	v13 =	vmul.f32 v17, v13;
	v7 =	vmul.f32 v7, v4;
	v4 =	vld [tilespmem:s1+$0x16A00]  }
0xae: {  	v14 =	vld [tilespmem:s1+$0x19210];
	v10 =	vmul.f32 v18, v8  }
0xaf: {  	v8 =	vmul.f32 v19, v13;
	v13 =	vld [tilespmem:s1+$0x19200];
	(xrf2) =	vadd.scan.msk.f32 $0xffff, v7  }
0xb0: {  	v17 =	vld [tilespmem:s1+$0x15670];
	(xrf2) =	vadd.scan.msk.f32 $0xffff, v10  }
0xb1: {  	v16 =	vld [tilespmem:s1+$0x15650];
	v11 =	vmul.f32 v20, v11;
	(xrf2) =	vadd.scan.msk.f32 $0xffff, v8  }
0xb2: {  	v18 =	vld [tilespmem:s1+$0x19250];
	v4 =	vmul.f32 v4, v15  }
0xb3: {  	s0 =	simm.s32 $0x80;
	v11 =	vmul.f32 v14, v11;
	v14 =	vld [tilespmem:s1+$0x16A70]  }
0xb4: {  	v23 =	vld [tilespmem:s0+$0x16A50];
	v19 =	vmul.f32 v13, v4  }
0xb5: {  	v4 =	vld [tilespmem:s1+$0x19270];
	(xrf2) =	vadd.scan.msk.f32 $0xffff, v11  }
0xb6: {  	v22 =	vld [tilespmem:s0+$0x15630];
	v12 =	vmul.f32 v12, v16;
	v13, _, _ =	vpop (xrf2);
	(xrf2) =	vadd.scan.msk.f32 $0xffff, v19  }
0xb7: {  	v24 =	vld [tilespmem:s0+$0x15660]  }
0xb8: {  	v25 =	vld [tilespmem:s0+$0x16A30];
	v12 =	vmul.f32 v18, v12;
	(v2sf) =	vpush v13, $0xF;
	v13 =	vmul.f32 v14, v17  }
0xb9: {  	v26 =	vld [tilespmem:s0+$0x15620];
	v17, _, _ =	vpop (xrf2)  }
0xba: {  	v27 =	vld [tilespmem:s0+$0x19210];
	(xrf2) =	vadd.scan.msk.f32 $0xffff, v12;
	v21, _, _ =	vpop (xrf2);
	v13 =	vmul.f32 v4, v13  }
0xbb: {  	v28 =	vld [tilespmem:s0+$0x16A10];
	v4, _, _ =	vpop (xrf2)  }
0xbc: {  	v18 =	vld [tilespmem:s0+$0x16A60];
	(v2sf) =	vpush v4, $0xF;
	(xrf2) =	vadd.scan.msk.f32 $0xffff, v13  }
0xbd: {  	v29 =	vld [tilespmem:s0+$0x15610];
	(v2sf) =	vpush v21, $0xF  }
0xbe: {  	v16 =	vld [tilespmem:s0+$0x19260]  }
0xbf: {  	v30 =	vld [tilespmem:s0+$0x15650];
	v4, _, _ =	vpop (xrf2);
	(v2sf) =	vpush v17, $0xF  }
0xc0: {  	v31 =	vld [tilespmem:s0+$0x16A00];
	(v2sf) =	vpush v4, $0xF;
	v4, _, _ =	vpop (xrf2)  }
0xc1: {  	v32 =	vld [tilespmem:s0+$0x15670];
	(v2sf) =	vpush v4, $0xF;
	v4 =	vmul.f32 v18, v24  }
0xc2: {  	v33 =	vld [tilespmem:s0+$0x19250]  }
0xc3: {  	v20 =	vld [tilespmem:$0x15520];
	v4 =	vmul.f32 v16, v4  }
0xc4: {  	v14 =	vld [tilespmem:s0+$0x19230];
	v21, _, _ =	vpop (xrf2)  }
0xc5: {  	v18 =	vld [tilespmem:s0+$0x15600];
	(v2sf) =	vpush v21, $0xF;
	(xrf2) =	vadd.scan.msk.f32 $0xffff, v4  }
0xc6: {  	v24 =	vld [tilespmem:s0+$0x15640];
	v21, _, _ =	vpop (xrf2)  }
0xc7: {  	v5 =	vshra.s32 v5, $0x4;
	v16 =	vld [tilespmem:s0+$0x16A40];
	s24 =	spop (v2sf);
	(v2sf) =	vpush v21, $0xF  }
0xc8: {  	[tilespmem:v1+s29+$0x0] =	vst.idx.msk $0xffff, v5;
	v5 =	vshra.s32 v6, $0x4;
	v6 =	vmul.f32 v25, v22;
	v25 =	vld [tilespmem:s0+$0x19240];
	s4 =	smul.f32 $2.500000000e-01, s24  }
0xc9: {  	v17 =	vld [tilespmem:s0+$0x16A20]  }
0xca: {  	[tilespmem:v2+s29+$0x0] =	vst.idx.msk $0xffff, v5;
	v5 =	vshra.s32 v20, $0x4;
	v20 =	vld [tilespmem:s0+$0x19200];
	v6 =	vmul.f32 v14, v6;
	s4 =	smax.f32 s4, $-5.000000000e+00  }
0xcb: {  	v34 =	vld [tilespmem:s0+$0x19220];
	[tilespmem:s1+$0x1A660] =	vst v9;
	v18 =	vmul.f32 v31, v18;
	s4 =	smin.f32 s4, $5.000000000e+00;
	s5 =	spop (v2sf)  }
0xcc: {  	v35 =	vld [tilespmem:s0+$0x16A70];
	[tilespmem:v3+s29+$0x0] =	vst.idx.msk $0xff, v5;
	(xrf2) =	vadd.scan.msk.f32 $0xffff, v6;
	v16 =	vmul.f32 v16, v24;
	v5 =	vmov s4;
	s30 =	smul.f32 $2.500000000e-01, s5;
	s31 =	spop (v2sf)  }
0xcd: {  	v36 =	vld [tilespmem:s2+$0x0];
	[tilespmem:s1+$0x1A620] =	vst v8;
	v21 =	vmul.f32 $1.442695020e+00, v5;
	s5 =	smul.f32 $2.500000000e-01, s31;
	v5 =	vmul.f32 v28, v29  }
0xce: {  	v22 =	vld [tilespmem:s1+$0x17E00];
	[tilespmem:s1+$0x1A640] =	vst v10;
	v26 =	vmul.f32 v17, v26;
	v16 =	vmul.f32 v25, v16;
	s6 =	spop (v2sf);
	s4 =	smax.f32 s30, $-5.000000000e+00  }
0xcf: {  	[tilespmem:s1+$0x1A630] =	vst v7;
	v15 =	vld [tilespmem:s1+$0x17E60];
	s6 =	smul.f32 $2.500000000e-01, s6;
	s19 =	spop (v2sf);
	v14 =	vmul.f32 v27, v5;
	v5 =	vmul.f32 v20, v18;
	v18, _, _ =	vpop (xrf2)  }
0xd0: {  	[tilespmem:s1+$0x1A650] =	vst v12;
	v17 =	vld [tilespmem:s0+$0x17E60];
	v24 =	vmul.f32 v23, v30;
	(xrf2) =	vadd.scan.msk.f32 $0xffff, v16;
	s4 =	smin.f32 s4, $5.000000000e+00;
	s5 =	smax.f32 s5, $-5.000000000e+00;
	(v2sf) =	vpush v18, $0xF  }
0xd1: {  	[tilespmem:s1+$0x1A610] =	vst v11;
	v31 =	vld [tilespmem:s0+$0x19270];
	s19 =	smul.f32 $2.500000000e-01, s19;
	s2 =	smin.f32 s5, $5.000000000e+00;
	v18 =	vmul.f32 v34, v26  }
0xd2: {  	[tilespmem:s1+$0x1A600] =	vst v19;
	v23 =	vld [tilespmem:s1+$0x17E40];
	v20 =	vmul.f32 v33, v24;
	v27 =	vmov s4;
	s23 =	smax.f32 s6, $-5.000000000e+00;
	s20 =	spop (v2sf)  }
0xd3: {  	[tilespmem:s1+$0x1A670] =	vst v13;
	v25 =	vld [tilespmem:s1+$0x17E10];
	v27 =	vmul.f32 $1.442695020e+00, v27;
	v26 =	vmov s2;
	s30 =	smin.f32 s23, $5.000000000e+00;
	s20 =	smul.f32 $2.500000000e-01, s20;
	(xrf2) =	vadd.scan.msk.f32 $0xffff, v18  }
0xd4: {  	v24 =	vmul.f32 v35, v32;
	[tilespmem:s0+$0x1A650] =	vst v20;
	s19 =	smax.f32 s19, $-5.000000000e+00;
	v63 =	vmul.f32 $1.442695020e+00, v26;
	v26 =	vld [tilespmem:s1+$0x17E70];
	s24 =	spop (v2sf)  }
0xd5: {  	s4 =	simm.s32 $0x400;
	[tilespmem:s0+$0x1A600] =	vst v5;
	v29 =	vmov s30;
	(v2sf) =	vpush v36, $0x0;
	v28 =	vbroadcast v27, $0x0;
	v27 =	vld [tilespmem:s1+$0x17E20];
	s6 =	smul.f32 $2.500000000e-01, s24;
	s31 =	smax.f32 s20, $-5.000000000e+00  }
0xd6: {  	v30, _, _ =	vpop (xrf2);
	s2 =	simm.s32 $0x15501;
	[tilespmem:s0+$0x1A620] =	vst v18;
	v33 =	vmul.f32 $1.442695020e+00, v29;
	v29 =	vld [tilespmem:s1+$0x17E30];
	(xrf2) =	vadd.scan.msk.f32 $0xffff, v14;
	v32 =	vbroadcast v63, $0x0;
	s20 =	smin.f32 s31, $5.000000000e+00;
	s24 =	spop (v2sf)  }
.LBB2_5:
0xd7: {  	s5 =	sshra.s32 s4, $0x2  }
0xd8: {  	[tilespmem:s0+$0x1A640] =	vst v16;
	s6 =	smax.f32 s6, $-5.000000000e+00;
	v34 =	vld [tilespmem:s1+$0x17E50];
	s24 =	smul.f32 $2.500000000e-01, s24;
	s23 =	smov.u32 s4  }
0xd9: {  	s19 =	smin.f32 s19, $5.000000000e+00;
	v35 =	vld [tilespmem:s5+$0x19260];
	s23 =	sadd.s32 $0x200, s4;
	v31 =	vmul.f32 v31, v24;
	(xrf2) =	vadd.scan.msk.f32 $0xffff, v5;
	v24 =	vmov s20;
	v33 =	vbroadcast v33, $0x0;
	s6 =	smin.f32 s6, $5.000000000e+00  }
0xda: {  	p0 =	sne.s32 s4, $0x4E00;
	v38 =	vmov s19;
	v36 =	vld [tilespmem:s5+$0x19230];
	[tilespmem:s0+$0x1A610] =	vst v14;
	v37, _, _ =	vpop (xrf2);
	v24 =	vmul.f32 $1.442695020e+00, v24;
	v39 =	vmov s6;
	s4 =	smax.f32 s24, $-5.000000000e+00  }
0xdb: {  	v38 =	vmul.f32 $1.442695020e+00, v38;
	v40 =	vld [tilespmem:s5+$0x16A60];
	[tilespmem:s0+$0x1A670] =	vst v31;
	s4 =	smin.f32 s4, $5.000000000e+00;
	(erf) = vpow2.f32 v32  }
0xdc: {  	v39 =	vmul.f32 $1.442695020e+00, v39;
	v32 =	vld [tilespmem:s5+$0x16A50];
	(xrf2) =	vadd.scan.msk.f32 $0xffff, v20;
	v41 =	vbroadcast v24, $0x0;
	v42 =	vmov s4  }
0xdd: {  	v38 =	vbroadcast v38, $0x0;
	v24 =	vadd.f32 v15, v9;
	v43 =	vld [tilespmem:s5+$0x15630];
	[tilespmem:s0+$0x1A630] =	vst v6;
	v44, _, _ =	vpop (xrf2);
	v42 =	vmul.f32 $1.442695020e+00, v42  }
0xde: {  	v9 =	vmovc v4;
	v15 =	vmovc v17;
	v39 =	vbroadcast v39, $0x0;
	v45 =	vld [tilespmem:s5+$0x15660];
	[tilespmem:s0+$0x1A660] =	vst v4;
	(v2sf) =	vpush v44, $0xF;
	(erf) = vpow2.f32 v41  }
0xdf: {  	v17 =	vld [tilespmem:s5+$0x16A30];
	(v2sf) =	vpush v37, $0xF;
	s4 =	spop (v2sf);
	(xrf2) =	vadd.scan.msk.f32 $0xffff, v31;
	v37 =	vbroadcast v42, $0x0;
	(erf) = vpow2.f32 v38  }
0xe0: {  	v25 =	vadd.f32 v25, v11;
	v29 =	vadd.f32 v29, v7;
	v7 =	vmov v6;
	v38 =	vld [tilespmem:s5+$0x15620];
	v4, _, _ =	vpop (xrf2)  }
0xe1: {  	v11 =	vmovc v14;
	s4 =	smul.f32 $2.500000000e-01, s4;
	v41 =	vld [tilespmem:s5+$0x19210];
	(v2sf) =	vpush v30, $0xF;
	v30 =	vadd.f32 v34, v12;
	(erf) = vpow2.f32 v28;
	v12 =	vmovc v20  }
0xe2: {  	v26 =	vadd.f32 v26, v13;
	v13 =	vmovc v31;
	v20 =	vadd.f32 v27, v8;
	v8 =	vmovc v18;
	v6 =	vld [tilespmem:s5+$0x16A20];
	(erf) = vpow2.f32 v33  }
0xe3: {  	v23 =	vadd.f32 v23, v10;
	s4 =	smax.f32 s4, $-5.000000000e+00;
	v14 =	vld [tilespmem:s5+$0x16A10];
	v40 =	vmul.f32 v40, v45;
	v27, _, _ =	vpop (xrf2);
	(v2sf) =	vpush v4, $0xF;
	[tilespmem:s1+$0x1CE70] =	vst v0  }
0xe4: {  	s4 =	smin.f32 s4, $5.000000000e+00;
	v28 =	vld [tilespmem:s5+$0x15610];
	(v2sf) =	vpush v27, $0xF;
	v27 =	vbroadcast v21, $0x0;
	[tilespmem:s1+$0x1CE60] =	vst v0;
	v31 =	vpop (erf);
	(erf) = vpow2.f32 v39  }
0xe5: {  	v10 =	vmovc v16;
	v34 =	vmov s4;
	v33 =	vld [tilespmem:s5+$0x15600];
	v4 =	vmul.f32 v35, v40;
	[tilespmem:s1+$0x1CE50] =	vst v0;
	(erf) = vpow2.f32 v37  }
0xe6: {  	v19 =	vadd.f32 v22, v19;
	v21 =	vmul.f32 $1.442695020e+00, v34;
	v16 =	vld [tilespmem:s5+$0x15640];
	v18, _, _ =	vpop (xrf2);
	[tilespmem:s1+$0x1CE40] =	vst v0;
	s4 =	spop (v2sf);
	(erf) = vpow2.f32 v27  }
0xe7: {  	v27 =	vmul.f32 v6, v38;
	v22 =	vld [tilespmem:s5+$0x16A40];
	(xrf2) =	vadd.scan.msk.f32 $0xffff, v4;
	(v2sf) =	vpush v18, $0xF;
	v6 =	vmul.f32 v31, v23;
	s6 =	sand.u32 $0x1, s4;
	s4 =	sshll.u32 s4, $0x3;
	v18 =	vpop (erf)  }
0xe8: {  	v17 =	vmul.f32 v17, v43;
	v23 =	vld [tilespmem:s5+$0x15650];
	v19 =	vmul.f32 v18, v19;
	v34 =	vsel vm1, $0x0, v18;
	[tilespmem:s1+$0x1CE30] =	vst v0;
	s19 =	sand.u32 $0x70, s4;
	v35 =	vpop (erf)  }
0xe9: {  	v18 =	vnsel vm0, $0x0, v18;
	v37 =	vld [tilespmem:s5+$0x16A00];
	v14 =	vmul.f32 v14, v28;
	v28, _, _ =	vpop (xrf2);
	v34 =	vsel vm3, v34, v35;
	[tilespmem:s1+$0x1BA40] =	vst v6  }
0xea: {  	v6 =	vmul.f32 v36, v17;
	v18 =	vsel vm2, v18, v35;
	v17 =	vld [tilespmem:s5+$0x19240];
	(v2sf) =	vpush v28, $0xF;
	[tilespmem:s1+$0x1CE20] =	vst v0;
	v28 =	vpop (erf)  }
0xeb: {  	v25 =	vmul.f32 v35, v25;
	v36 =	vld [tilespmem:s5+$0x19200];
	v14 =	vmul.f32 v41, v14;
	v18 =	vsel vm4, v18, v28;
	[tilespmem:s1+$0x1CE10] =	vst v0;
	v35 =	vpop (erf)  }
0xec: {  	v39 =	vsel vm5, v34, v28;
	v16 =	vmul.f32 v22, v16;
	v38 =	vld [tilespmem:s5+$0x15670];
	(xrf2) =	vadd.scan.msk.f32 $0xffff, v6;
	v18 =	vsel vm6, v18, v35  }
0xed: {  	v23 =	vmul.f32 v32, v23;
	v32 =	vld [tilespmem:s5+$0x19250];
	s4 =	spop (v2sf);
	[tilespmem:s1+$0x1BA00] =	vst v19;
	v19 =	vmul.f32 v28, v20;
	v20 =	vsel vm7, v39, v35;
	v22 =	vpop (erf)  }
0xee: {  	v18 =	vsel vm8, v18, v31;
	v28 =	vmul.f32 v37, v33;
	v33 =	vld [tilespmem:s5+$0x19220];
	s4 =	smul.f32 $2.500000000e-01, s4;
	s20 =	spop (v2sf);
	v37 =	vmul.f32 v35, v29;
	[tilespmem:s1+$0x1CE00] =	vst v0;
	v34 =	vpop (erf)  }
0xef: {  	v39 =	vmul.f32 v22, v30;
	v18 =	vsel vm10, v18, v22;
	v16 =	vmul.f32 v17, v16;
	v35 =	vld [tilespmem:s5+$0x16A70];
	s20 =	smul.f32 $2.500000000e-01, s20;
	[tilespmem:s1+$0x1BA20] =	vst v19;
	v30 =	vpop (erf)  }
0xf0: {  	v20 =	vsel vm9, v20, v31;
	v28 =	vmul.f32 v36, v28;
	v17 =	vld [tilespmem:s5+$0x17E60];
	s4 =	smax.f32 s4, $-5.000000000e+00;
	s24 =	spop (v2sf);
	[tilespmem:s1+$0x1BA30] =	vst v37;
	v18 =	vsel vm12, v18, v30  }
0xf1: {  	v31 =	vsel vm11, v20, v22;
	v24 =	vmul.f32 v30, v24;
	v29, _, _ =	vpop (xrf2);
	s4 =	smin.f32 s4, $5.000000000e+00;
	s24 =	smul.f32 $2.500000000e-01, s24;
	[tilespmem:s1+$0x1BA50] =	vst v39;
	v36 =	vsel vm14, v18, v34  }
0xf2: {  	s30 =	sadd.s32 $0x1CE00, s1;
	v26 =	vmul.f32 v34, v26;
	v19 =	vmovc v5;
	(xrf2) =	vadd.scan.msk.f32 $0xffff, v16;
	(v2sf) =	vpush v29, $0xF;
	v22 =	vld [tilespmem:s0+$0x17E00];
	v29 =	vmov s4;
	s4 =	spop (v2sf)  }
0xf3: {  	p1 =	seq.s32 s6, $0x1;
	v30 =	vsel vm13, v31, v30;
	v20 =	vmul.f32 v32, v23;
	v18 =	vmul.f32 v33, v27;
	s4 =	smul.f32 $2.500000000e-01, s4;
	v23 =	vld [tilespmem:s0+$0x17E40];
	s31 =	spop (v2sf);
	[tilespmem:s1+$0x1BA60] =	vst v24  }
0xf4: {  	s19 =	sadd.s32 s19, s30;
	s6 =	smax.f32 s20, $-5.000000000e+00;
	v5 =	vmovc v28;
	v27 =	vmul.f32 $1.442695020e+00, v29;
	v29 =	vsel vm15, v30, v34;
	v24 =	vmul.f32 v35, v38;
	v35 =	vld [tilespmem:s2+$0x0];
	s31 =	smul.f32 $2.500000000e-01, s31;
	[tilespmem:s1+$0x1BA10] =	vst v25  }
.Ltmp1:
0xf5: {  	s6 =	smin.f32 s6, $5.000000000e+00;
	(xrf2) =	vadd.scan.msk.f32 $0xffff, v18;
	v25 =	vld [tilespmem:s0+$0x17E10];
	[tilespmem:s1+$0x1BA70] =	vst v26;
	v26 =	vpsel p1, v29, v36;
	s1 =	smov.u32 s0;
	(pc) =	sbr.rel @p0 .LBB2_5-.Ltmp1, $4  }
0xf6: {  	s20 =	smax.f32 s24, $-5.000000000e+00;
	v28 =	vbroadcast v27, $0x0;
	v27 =	vmov s6;
	s0 =	smov.u32 s5;
	v31 =	vld [tilespmem:s5+$0x19270];
	v30, _, _ =	vpop (xrf2);
	s6 =	spop (v2sf);
	[tilespmem:s19+$0x0] =	vst v26  }
0xf7: {  	s5 =	smin.f32 s20, $5.000000000e+00;
	v32 =	vmul.f32 $1.442695020e+00, v27;
	[tilespmem:s0+$0x1A620] =	vst v18;
	s6 =	smul.f32 $2.500000000e-01, s6;
	v26 =	vld [tilespmem:s1+$0x17E70]  }
0xf8: {  	s2 =	sadd.s32 $0x1, s2;
	s20 =	smax.f32 s31, $-5.000000000e+00;
	s19 =	smax.f32 s4, $-5.000000000e+00;
	v29 =	vmov s5;
	[tilespmem:s0+$0x1A650] =	vst v20;
	(xrf2) =	vadd.scan.msk.f32 $0xffff, v14;
	v27 =	vld [tilespmem:s1+$0x17E20]  }
0xf9: {  	s4 =	smov.u32 s23;
	s20 =	smin.f32 s20, $5.000000000e+00;
	v33 =	vmul.f32 $1.442695020e+00, v29;
	v32 =	vbroadcast v32, $0x0;
	[tilespmem:s0+$0x1A600] =	vst v5;
	v29 =	vld [tilespmem:s1+$0x17E30];
	(v2sf) =	vpush v35, $0x0;
	s24 =	spop (v2sf)  }
0xfa: {  	_ = 	snop  }
0xfb: {  	(xrf2) =	vadd.scan.msk.f32 $0xffff, v5;
	_ =	sdelay $0x2  }
0xfc: {  	v24 =	vmul.f32 v31, v24;
	v34, _, _ =	vpop (xrf2);
	(xrf2) =	vadd.scan.msk.f32 $0xffff, v20  }
0xfd: {  	v55, _, _ =	vpop (xrf2)  }
0xfe: {  	(xrf2) =	vadd.scan.msk.f32 $0xffff, v24;
	(v2sf) =	vpush v55, $0xF  }
0xff: {  	(v2sf) =	vpush v34, $0xF  }
0x100: {  	(v2sf) =	vpush v30, $0xF  }
0x101: {  	v56 =	vmov s20;
	s4 =	smin.f32 s19, $5.000000000e+00;
	v35, _, _ =	vpop (xrf2)  }
0x102: {  	s5 =	smul.f32 $2.500000000e-01, s24;
	s31 =	smax.f32 s6, $-5.000000000e+00;
	v31 =	vmul.f32 $1.442695020e+00, v56;
	v57 =	vmov s4;
	(v2sf) =	vpush v35, $0xF  }
0x103: {  	s4 =	smin.f32 s31, $5.000000000e+00;
	(erf) = vpow2.f32 v32;
	v58 =	vmul.f32 $1.442695020e+00, v57;
	v59, _, _ =	vpop (xrf2)  }
0x104: {  	s5 =	smax.f32 s5, $-5.000000000e+00;
	v60 =	vmov s4;
	v31 =	vbroadcast v31, $0x0;
	(v2sf) =	vpush v59, $0xF  }
0x105: {  	s5 =	smin.f32 s5, $5.000000000e+00;
	v61 =	vmul.f32 $1.442695020e+00, v60;
	v30 =	vbroadcast v58, $0x0  }
0x106: {  	v33 =	vbroadcast v33, $0x0;
	v62 =	vmov s5;
	(erf) = vpow2.f32 v31;
	v63, _, _ =	vpop (xrf2)  }
0x107: {  	v36 =	vbroadcast v61, $0x0;
	(erf) = vpow2.f32 v30;
	(v2sf) =	vpush v63, $0xF  }
0x108: {  	v34 =	vmul.f32 $1.442695020e+00, v62;
	(erf) = vpow2.f32 v28;
	v39, _, _ =	vpop (xrf2)  }
0x109: {  	s6 =	spop (v2sf);
	(erf) = vpow2.f32 v33;
	(v2sf) =	vpush v39, $0xF  }
0x10a: {  	v37 =	vld [tilespmem:s1+$0x17E50];
	s19 =	smul.f32 $2.500000000e-01, s6;
	v38 =	vbroadcast v34, $0x0;
	(erf) = vpow2.f32 v36  }
0x10b: {  	v21 =	vbroadcast v21, $0x0;
	v9 =	vadd.f32 v15, v9  }
0x10c: {  	[tilespmem:s0+$0x1A640] =	vst v16;
	v11 =	vadd.f32 v25, v11;
	v10 =	vadd.f32 v23, v10;
	s5 =	smax.f32 s19, $-5.000000000e+00;
	(erf) = vpow2.f32 v38;
	s4 =	spop (v2sf)  }
0x10d: {  	[tilespmem:s0+$0x1A610] =	vst v14;
	v19 =	vadd.f32 v22, v19;
	v13 =	vadd.f32 v26, v13;
	s5 =	smin.f32 s5, $5.000000000e+00;
	(erf) = vpow2.f32 v21;
	s20 =	spop (v2sf)  }
0x10e: {  	[tilespmem:s0+$0x1A630] =	vst v6;
	v8 =	vadd.f32 v27, v8;
	v7 =	vadd.f32 v29, v7;
	v40 =	vpop (erf);
	v41 =	vmov s5;
	s6 =	smul.f32 $2.500000000e-01, s20;
	s23 =	spop (v2sf)  }
0x10f: {  	[tilespmem:s0+$0x1A660] =	vst v4;
	v12 =	vadd.f32 v37, v12;
	v10 =	vmul.f32 v40, v10;
	v42 =	vpop (erf);
	v21 =	vmul.f32 $1.442695020e+00, v41;
	s5 =	smul.f32 $2.500000000e-01, s23;
	s24 =	spop (v2sf)  }
0x110: {  	[tilespmem:s1+$0x1CE70] =	vst v0;
	v44 =	vnsel vm0, $0x0, v42;
	v45 =	vsel vm1, $0x0, v42;
	v19 =	vmul.f32 v42, v19;
	v43 =	vpop (erf);
	s6 =	smax.f32 s6, $-5.000000000e+00;
	s19 =	smul.f32 $2.500000000e-01, s24  }
0x111: {  	[tilespmem:s1+$0x1CE60] =	vst v0;
	v25 =	vsel vm2, v44, v43;
	v46 =	vpop (erf);
	v47 =	vsel vm3, v45, v43;
	v11 =	vmul.f32 v43, v11;
	s30 =	spop (v2sf);
	s6 =	smin.f32 s6, $5.000000000e+00  }
0x112: {  	[tilespmem:s1+$0x1CE50] =	vst v0;
	v25 =	vsel vm4, v25, v46;
	v48 =	vpop (erf);
	v49 =	vsel vm5, v47, v46;
	v8 =	vmul.f32 v46, v8;
	s20 =	smul.f32 $2.500000000e-01, s30;
	s5 =	smax.f32 s5, $-5.000000000e+00  }
0x113: {  	[tilespmem:s1+$0x1CE40] =	vst v0;
	v50 =	vsel vm6, v25, v48;
	v51 =	vpop (erf);
	v22 =	vsel vm7, v49, v48;
	v7 =	vmul.f32 v48, v7;
	s23 =	spop (v2sf);
	s5 =	smin.f32 s5, $5.000000000e+00  }
0x114: {  	[tilespmem:s1+$0x1CE30] =	vst v0;
	v23 =	vsel vm8, v50, v40;
	v12 =	vmul.f32 v51, v12;
	v15 =	vsel vm9, v22, v40;
	s19 =	smax.f32 s19, $-5.000000000e+00;
	s23 =	smul.f32 $2.500000000e-01, s23  }
0x115: {  	[tilespmem:s1+$0x1CE20] =	vst v0;
	v52 =	vpop (erf);
	v23 =	vsel vm10, v23, v51;
	v15 =	vsel vm11, v15, v51;
	v55 =	vmov s6;
	s19 =	smin.f32 s19, $5.000000000e+00;
	s20 =	smax.f32 s20, $-5.000000000e+00  }
0x116: {  	[tilespmem:s1+$0x1CE10] =	vst v0;
	v53 =	vpop (erf);
	v13 =	vmul.f32 v52, v13;
	v56 =	vmul.f32 $1.442695020e+00, v55;
	v57 =	vmov s5;
	s31 =	spop (v2sf);
	s24 =	smax.f32 s23, $-5.000000000e+00  }
0x117: {  	[tilespmem:s1+$0x1CE00] =	vst v0;
	v54 =	vsel vm12, v23, v53;
	v9 =	vmul.f32 v53, v9;
	v23 =	vmul.f32 $1.442695020e+00, v57;
	s5 =	smul.f32 $2.500000000e-01, s31;
	s6 =	smin.f32 s24, $5.000000000e+00  }
0x118: {  	[tilespmem:s1+$0x1BA40] =	vst v10;
	v58 =	vmov s19;
	v10 =	vbroadcast v56, $0x0;
	s31 =	smin.f32 s20, $5.000000000e+00;
	s30 =	spop (v2sf);
	v59 =	vmov s6  }
0x119: {  	[tilespmem:s0+$0x1A670] =	vst v24;
	v25 =	vmul.f32 $1.442695020e+00, v58;
	v62 =	vmov s31;
	s19 =	smul.f32 $2.500000000e-01, s30;
	v61 =	vmul.f32 $1.442695020e+00, v59  }
0x11a: {  	v63 =	vld [tilespmem:s2+$0x0];
	[tilespmem:s1+$0x1BA00] =	vst v19;
	v31 =	vsel vm13, v15, v53;
	v60 =	vbroadcast v23, $0x0;
	s6 =	smax.f32 s5, $-5.000000000e+00;
	v28 =	vmul.f32 $1.442695020e+00, v62  }
0x11b: {  	[tilespmem:s1+$0x1BA10] =	vst v11;
	v22 =	vsel vm14, v54, v52;
	v33 =	vbroadcast v25, $0x0;
	s2 =	smin.f32 s6, $5.000000000e+00;
	s20 =	smax.f32 s19, $-5.000000000e+00;
	v32 =	vbroadcast v61, $0x0  }
0x11c: {  	[tilespmem:s1+$0x1BA20] =	vst v8;
	(erf) = vpow2.f32 v60;
	v34 =	vmov s2;
	v35 =	vbroadcast v28, $0x0;
	s23 =	smin.f32 s20, $5.000000000e+00  }
0x11d: {  	v38 =	vld [tilespmem:s0+$0x17E40];
	[tilespmem:s1+$0x1BA30] =	vst v7;
	v36 =	vmul.f32 $1.442695020e+00, v34;
	v37 =	vmov s23;
	(erf) = vpow2.f32 v32  }
0x11e: {  	v42 =	vld [tilespmem:s0+$0x17E10];
	[tilespmem:s1+$0x1BA50] =	vst v12;
	v8 =	vsel vm15, v31, v52;
	s24 =	sand.u32 $0x1, s4;
	s4 =	sshll.u32 s4, $0x3;
	v39 =	vmul.f32 $1.442695020e+00, v37;
	(erf) = vpow2.f32 v35  }
0x11f: {  	v43 =	vld [tilespmem:s0+$0x17E20];
	[tilespmem:s1+$0x1BA70] =	vst v13;
	s4 =	sand.u32 $0x70, s4;
	p0 =	seq.s32 s24, $0x1;
	(v2sf) =	vpush v63, $0x0;
	s30 =	sadd.s32 $0x1CE00, s1;
	v41 =	vbroadcast v36, $0x0;
	(erf) = vpow2.f32 v10  }
0x120: {  	v45 =	vld [tilespmem:s0+$0x17E30];
	[tilespmem:s1+$0x1BA60] =	vst v9;
	v8 =	vpsel p0, v8, v22;
	s31 =	sadd.s32 s4, s30;
	v9 =	vbroadcast v39, $0x0;
	(erf) = vpow2.f32 v33  }
0x121: {  	v44 =	vbroadcast v21, $0x0;
	v40 =	vld [tilespmem:s0+$0x17E00];
	[tilespmem:s31+$0x0] =	vst v8;
	(erf) = vpow2.f32 v41  }
0x122: {  	v49 =	vld [tilespmem:s0+$0x17E70];
	[tilespmem:s0+$0x1CE70] =	vst v0;
	(erf) = vpow2.f32 v9  }
0x123: {  	v46 =	vld [tilespmem:s0+$0x17E50];
	[tilespmem:s0+$0x1CE60] =	vst v0;
	(erf) = vpow2.f32 v44  }
0x124: {  	[tilespmem:s0+$0x1CE50] =	vst v0  }
0x125: {  	v4 =	vadd.f32 v17, v4;
	v47 =	vadd.f32 v38, v16;
	[tilespmem:s0+$0x1CE40] =	vst v0;
	v48 =	vpop (erf)  }
0x126: {  	v51 =	vadd.f32 v45, v6;
	v5 =	vadd.f32 v40, v5;
	[tilespmem:s0+$0x1CE30] =	vst v0;
	v50 =	vpop (erf)  }
0x127: {  	v7 =	vadd.f32 v43, v18;
	v13 =	vadd.f32 v49, v24;
	[tilespmem:s0+$0x1CE20] =	vst v0;
	v52 =	vpop (erf)  }
0x128: {  	[tilespmem:s0+$0x1CE10] =	vst v0;
	v10 =	vadd.f32 v42, v14;
	v9 =	vadd.f32 v46, v20;
	v5 =	vmul.f32 v50, v5;
	v53 =	vpop (erf)  }
0x129: {  	[tilespmem:s0+$0x1CE00] =	vst v0;
	v12 =	vmul.f32 v48, v47;
	v54 =	vsel vm1, $0x0, v50;
	v15 =	vnsel vm0, $0x0, v50;
	v55 =	vpop (erf)  }
0x12a: {  	v14 =	vsel vm3, v54, v52;
	v15 =	vsel vm2, v15, v52;
	[tilespmem:s0+$0x1BA00] =	vst v5;
	v5 =	vmul.f32 v53, v7;
	v56 =	vpop (erf)  }
0x12b: {  	[tilespmem:s0+$0x1BA40] =	vst v12;
	v60 =	vmul.f32 v52, v10;
	v15 =	vsel vm4, v15, v53;
	v12 =	vsel vm5, v14, v53;
	v57 =	vpop (erf)  }
0x12c: {  	v15 =	vsel vm6, v15, v55;
	v12 =	vsel vm7, v12, v55;
	[tilespmem:s0+$0x1BA20] =	vst v5;
	v5 =	vmul.f32 v56, v9;
	v58 =	vpop (erf)  }
0x12d: {  	[tilespmem:s0+$0x1BA10] =	vst v60;
	v15 =	vsel vm8, v15, v48;
	v59 =	vsel vm9, v12, v48;
	v4 =	vmul.f32 v58, v4  }
0x12e: {  	s4 =	spop (v2sf);
	v6 =	vmul.f32 v55, v51;
	v61 =	vsel vm10, v15, v56;
	[tilespmem:s0+$0x1BA50] =	vst v5;
	v5 =	vsel vm11, v59, v56  }
0x12f: {  	s5 =	sand.u32 $0x1, s4;
	s1 =	sshll.u32 s4, $0x3;
	v63 =	vmul.f32 v57, v13;
	v62 =	vsel vm12, v61, v58;
	[tilespmem:s0+$0x1BA60] =	vst v4;
	v4 =	vsel vm13, v5, v58  }
0x130: {  	s6 =	sadd.s32 $0x1CE00, s0;
	s1 =	sand.u32 $0x70, s1;
	p6 =	seq.s32 s5, $0x1;
	[tilespmem:s0+$0x1BA30] =	vst v6;
	v5 =	vsel vm14, v62, v57;
	v4 =	vsel vm15, v4, v57  }
0x131: {  	s19 =	rddreg [dreg:$0x2];
	s1 =	sadd.s32 s1, s6;
	[tilespmem:s0+$0x1BA70] =	vst v63;
	v4 =	vpsel p6, v4, v5  }
0x132: {  	s20 =	simm.s32 $0x0;
	s23 =	simm.s32 $0x1A600;
	s0 =	sadd.s32 s19, s12;
	[tilespmem:s1+$0x0] =	vst v4  }
0x133: {  	[hbm4b:s0+s20] =	stream.linear.scatter [tilespmem:s23], [sflag:$0x5], $0x1400, $0x38;
	[tilespmem:$0x1E200] =	vst v63  }
0x134: {  	_ =	swait.ge [sflag:s14], $0x1400  }
0x135: {  	[sflag:s14] =	ssyncset.done $0x0  }
0x136: {  	[sflag:s14] =	ssyncadd.s32 $0xFFFFEC00  }
0x137: {  	s24 =	rddreg [dreg:$0x3]  }
0x138: {  	[spmem:s24] =	stream.indirect.scatter.add.f32 [tilespmem:s13], [sflag:$0x5], $0x80, s16, s18, $0xb8;
	[tilespmem:$0x1E200] =	vst v63  }
0x139: {  	_ =	swait.ge [sflag:s14], $0x1400  }
0x13a: {  	s21 =	sadd.s32 $0x1, s21;
	[sflag:s14] =	ssyncset.done $0x0  }
0x13b: {  	p0 =	sne.s32 s21, $0xFA;
	[sflag:s14] =	ssyncadd.s32 $0xFFFFEC00  }
.Ltmp2:
0x13c: {  	s31 =	simm.s32 $0x1CE00;
	s30 =	rddreg [dreg:$0x4];
	(pc) =	sbr.rel @p0 .LBB2_4-.Ltmp2, $4  }
0x13d: {  	[spmem:s30] =	stream.indirect.scatter.add.f32 [tilespmem:s31], [sflag:$0x5], $0x80, s29, s18, $0xb8;
	[tilespmem:$0x1E200] =	vst v63  }
0x13e: {  	_ =	swait.ge [sflag:s14], $0x1400  }
0x13f: {  	[sflag:s14] =	ssyncset.done $0x0  }
0x140: {  	[sflag:s14] =	ssyncadd.s32 $0xFFFFEC00  }
0x141: {  	s0 =	stileid.u32;
	[bflag:$0x0] =	sbarrier.arrive $0xFFFF  }
0x142: {  	s0 =	sshll.u32 s0, $0x6;
	s5 =	rddreg [dreg:$0x6]  }
0x143: {  	s2 =	rddreg [dreg:$0x10];
	s0 =	sor.u32 $0x1C05, s0;
	s1 =	sshrl.u32 s5, $0x3  }
0x144: {  	[hbm:s2], [sflag:s0] =	dma.local [spmem:s1], $0x2800  }
0x145: {  	_ =	swait.ge [sflag:s14], $0x2800  }
0x146: {  	[sflag:s14] =	ssyncset.done $0x0;
	s4 =	rddreg [dreg:$0xf]  }
0x147: {  	s24 =	rddreg [dreg:$0x11];
	[sflag:s14] =	ssyncadd.s32 $0xFFFFD800;
	s23 =	sshrl.u32 s4, $0x3  }
0x148: {  	[hbm:s24], [sflag:s0] =	dma.local [spmem:s23], $0x280  }
0x149: {  	_ =	swait.ge [sflag:s14], $0x280  }
0x14a: {  	s30 =	rddreg [dreg:$0x1a]  }
0x14b: {  	s31 =	rddreg [dreg:$0x12];
	s1 =	sadd.s32 $0x1, s30  }
0x14c: {  	p0 =	sne.s32 s1, s31  }
.Ltmp3:
0x14d: {  	_ = 	snop;
	(pc) =	sbr.rel @p0 .LBB2_1-.Ltmp3, $3  }
0x14e: {  	_ =	sdelay $0x1  }
0x14f: {  	[sflag:s14] =	ssyncset.done $0x0  }
0x150: {  	[sflag:s14] =	ssyncadd.s32 $0xFFFFFD80  }
0x151: {  	_ =	sfence.sel $0x180000  }
0x152: {  	[bflag:$0x0] =	sbarrier.arrive $0xFFFF  }
0x153: {  	_ =	strace $0x90000047  }
0x154: {  	s0 =	stileid.u32;
	[bflag:$0x2] =	sbarrier.arrive $0xFFFF  }
0x155: {  	p0 =	sne.s32 s0, $0x0;
	s0 =	rddreg [dreg:$0x5]  }
0x156: {  	s0 =	sadd.s32 @!p0 $0x100000, s0  }
0x157: {  	[sflag:s0] =	ssyncadd.tile.s32 @!p0 $0x1;
	_ =	shalt  }
.Lfunc_end2:
_tile_overlayer_lowered:
.L_overlay_start_2:
0x158: {  	(tag) =	ssettag $0x2  }
0x159: {  	s0 =	rddreg [dreg:$0x0];
	s2 =	stileid.u32  }
0x15a: {  	s1 =	rddreg [dreg:$0x1];
	p0 =	sne.s32 s2, $0x0  }
0x15b: {  	s3 =	rddreg [dreg:$0x2];
	[bflag:$0x3] =	sbarrier.arrive $0xFFFF;
	s2 =	simm.s32 @!p0 $0x1C05  }
0x15c: {  	[timem:s3], [sflag:s2] =	dma.local @!p0 [hbm:s0], s1  }
0x15d: {  	s0 =	simm.s32 @!p0 $0x5  }
0x15e: {  	_ =	swait.ge @!p0 [sflag:s0], s1  }
0x15f: {  	s1 =	ssub.s32 @!p0 $0x0, s1;
	[sflag:s0] =	ssyncset.done @!p0 $0x0  }
0x160: {  	[sflag:s0] =	ssyncadd.s32 @!p0 s1  }
0x161: {  	[bflag:$0x3] =	sbarrier.arrive $0xFFFF  }
0x162: {  	_ =	shalt  }

</sc_bundles>
